<compile_context>
chip_gen: v7x
topology: tpu7x:2x2x1
jax: 0.10.2.dev20260603
libtpu: 0.0.44.dev20260713+nightly
codegen_flags: <defaults>
</compile_context>

<pallas_src>
import functools

import jax
import jax.numpy as jnp
from jax import lax
from jax.experimental import pallas as pl
from jax.experimental.pallas import tpu as pltpu
from jax.experimental.pallas import tpu_sc as plsc

PAD = 1
BSZ = 4
SEQ = 4096
D = 1024
G = BSZ * SEQ
NW = 32
JW = SEQ // NW
R = 32
NCH = JW // R
L = 16


def _make_kernel():
    mesh = plsc.VectorSubcoreMesh(core_axis_name="c", subcore_axis_name="s")

    @functools.partial(
        pl.kernel,
        mesh=mesh,
        out_type=jax.ShapeDtypeStruct((BSZ, SEQ, D), jnp.float32),
        scratch_types=[
            pltpu.VMEM((BSZ, JW), jnp.int32),
            pltpu.VMEM((R,), jnp.int32),
            pltpu.VMEM((R,), jnp.int32),
            pltpu.VMEM((R, D), jnp.float32),
            pltpu.VMEM((R, D), jnp.float32),
            pltpu.SemaphoreType.DMA,
            pltpu.SemaphoreType.DMA,
            pltpu.SemaphoreType.DMA,
            pltpu.SemaphoreType.DMA,
            pltpu.SemaphoreType.DMA,
        ],
    )
    def k(inp_hbm, w_hbm, out_hbm, tok_v, idx0, idx1, buf0, buf1,
          sem_r0, sem_r1, sem_w0, sem_w1, sem_t):
        wid = lax.axis_index("s") * 2 + lax.axis_index("c")
        jlo = wid * JW

        idxs = (idx0, idx1)
        bufs = (buf0, buf1)
        rsems = (sem_r0, sem_r1)
        wsems = (sem_w0, sem_w1)
        iota = lax.iota(jnp.int32, L)

        def gather_affine(c):
            p = c % 2
            for v in range(R // L):
                idxs[p][pl.ds(v * L, L)] = (
                    jlo + c * R + v * L + (PAD + 1) + iota)
            return pltpu.async_copy(w_hbm.at[idxs[p]], bufs[p], rsems[p])

        def bcast_write(c):
            return [
                pltpu.async_copy(bufs[c % 2],
                                 out_hbm.at[b, pl.ds(jlo + c * R, R)],
                                 wsems[c % 2])
                for b in range(BSZ)
            ]

        rcps = {0: gather_affine(0), 1: gather_affine(1)}
        tcp = pltpu.async_copy(inp_hbm.at[:, pl.ds(jlo, JW)], tok_v, sem_t)
        wcps = {}
        for c in (0, 1):
            rcps[c].wait()
            wcps[c] = bcast_write(c)

        tcp.wait()
        GPB = JW // L

        def scan_body(g, acc):
            b = g // GPB
            tok = tok_v[b, pl.ds((g - b * GPB) * L, L)]
            return acc | jnp.where(tok == PAD, 1, 0)

        padv = lax.fori_loop(0, BSZ * GPB, scan_body,
                             jnp.zeros((L,), jnp.int32))
        anypad = padv[0]
        for l in range(1, L):
            anypad = anypad | padv[l]

        @pl.when(anypad == 0)
        def _fast():
            for c in range(2, NCH):
                for cp in wcps[c - 2]:
                    cp.wait()
                rcps[c] = gather_affine(c)
                rcps[c].wait()
                wcps[c] = bcast_write(c)
            for c in range(NCH - 2, NCH):
                for cp in wcps[c]:
                    cp.wait()

        @pl.when(anypad != 0)
        def _slow():
            for c in (0, 1):
                for cp in wcps[c]:
                    cp.wait()

            def step(s, carry):
                b = s // NCH
                c = s - b * NCH

                def fill(v, carry2):
                    tok = tok_v[b, pl.ds(c * R + v * L, L)]
                    pos = jlo + c * R + v * L + (PAD + 1) + iota
                    idx0[pl.ds(v * L, L)] = jnp.where(tok != PAD, pos, PAD)
                    return carry2

                lax.fori_loop(0, R // L, fill, jnp.int32(0))
                pltpu.async_copy(w_hbm.at[idx0], buf0, sem_r0).wait()
                dst = pl.multiple_of(jlo + c * R, 8)
                pltpu.async_copy(buf0, out_hbm.at[b, pl.ds(dst, R)],
                                 sem_w0).wait()
                return carry

            lax.fori_loop(0, BSZ * NCH, step, jnp.int32(0))

    return k


_embed = _make_kernel()


@jax.jit
def kernel(input, weights):
    return _embed(input, weights)

# --- scband reference (transcript-rebuilt; emitter-appended) ---
"""Pipeline reference for scband-sinusoidal-positional-embedding-14113262534940 (READ-ONLY COPY).

The authoritative reference and input builder live on the scoring server;
editing this copy changes nothing except your own understanding.
"""

import jax, jax.numpy as jnp
import numpy as np
import math

PADDING_IDX = 1
EMBED_DIM = 1024
BSZ = 4
SEQ_LEN = 4096
INIT_SIZE = 8192
VOCAB = 50000


def get_embedding(num_embeddings, embedding_dim, padding_idx=None):
    half_dim = embedding_dim // 2
    emb_scale = math.log(10000.0) / (half_dim - 1)
    emb = jnp.exp(jnp.arange(half_dim, dtype=jnp.float32) * -emb_scale)
    emb = jnp.arange(num_embeddings, dtype=jnp.float32)[:, None] * emb[None, :]
    emb = jnp.concatenate([jnp.sin(emb), jnp.cos(emb)], axis=1).reshape(num_embeddings, -1)
    if embedding_dim % 2 == 1:
        emb = jnp.concatenate([emb, jnp.zeros((num_embeddings, 1), dtype=jnp.float32)], axis=1)
    if padding_idx is not None:
        emb = emb.at[padding_idx, :].set(0.0)
    return emb


def make_positions(tensor, padding_idx, left_pad):
    # Replace non-padding symbols with their position numbers starting at padding_idx+1.
    bsz, seq_len = tensor.shape
    positions = jnp.arange(padding_idx + 1, padding_idx + 1 + seq_len, dtype=tensor.dtype)
    positions = jnp.broadcast_to(positions[None, :], (bsz, seq_len))
    mask = tensor != padding_idx
    if left_pad:
        positions = positions - seq_len + mask.astype(tensor.dtype).sum(axis=1, keepdims=True)
    # masked_scatter_ of row-major ordered positions[mask] into masked slots == where(mask, positions, tensor)
    return jnp.where(mask, positions, tensor)


def setup_inputs(seed: int = 0) -> dict:
    key = jax.random.key(seed)
    k1, _ = jax.random.split(key)
    inp = jax.random.randint(k1, (BSZ, SEQ_LEN), 0, VOCAB, dtype=jnp.int32)
    weights = get_embedding(INIT_SIZE, EMBED_DIM, PADDING_IDX)
    return {"input": inp, "weights": weights}


def reference(input, weights):
    bsz, seq_len = input.shape
    positions = make_positions(input, PADDING_IDX, False)
    out = jnp.take(weights, positions.reshape(-1), axis=0).reshape(bsz, seq_len, -1)
    return out

if __name__ == "__main__":
    import jax
    _d = setup_inputs()
    print(jax.jit(kernel)(*tuple(_d.values())))

</pallas_src>

<mosaic_0001>
#map = affine_map<(d0, d1) -> (0, 0)>
#map1 = affine_map<(d0, d1) -> (0, 0, 0)>
module attributes {stable_mosaic.version = 14 : i64} {
  func.func @k(%arg0: i32, %arg1: i32, %arg2: memref<4x4096xi32, #tpu.memory_space<hbm>>, %arg3: memref<8192x1024xf32, #tpu.memory_space<hbm>>, %arg4: memref<4x4096x1024xf32, #tpu.memory_space<hbm>>, %arg5: memref<4x128xi32, #tpu.memory_space<vmem>>, %arg6: memref<32xi32, #tpu.memory_space<vmem>>, %arg7: memref<32xi32, #tpu.memory_space<vmem>>, %arg8: memref<32x1024xf32, #tpu.memory_space<vmem>>, %arg9: memref<32x1024xf32, #tpu.memory_space<vmem>>, %arg10: memref<!tpu.dma_semaphore, #tpu.memory_space<semaphore_mem>>, %arg11: memref<!tpu.dma_semaphore, #tpu.memory_space<semaphore_mem>>, %arg12: memref<!tpu.dma_semaphore, #tpu.memory_space<semaphore_mem>>, %arg13: memref<!tpu.dma_semaphore, #tpu.memory_space<semaphore_mem>>, %arg14: memref<!tpu.dma_semaphore, #tpu.memory_space<semaphore_mem>>) attributes {dimension_semantics = [#tpu.dimension_semantics<core_parallel>, #tpu.dimension_semantics<subcore_parallel>], iteration_bounds = array<i64: 2, 16>, scalar_prefetch = 0 : i64, scratch_operands = 10 : i64, tpu.core_type = #tpu.core_type<sc_vector_subcore>, window_params = [{transform_indices = #map}, {transform_indices = #map}, {transform_indices = #map1}]} {
    %mul3A = arith.constant 2 : i32
    %mul3A_0 = arith.muli %arg1, %mul3A : i32
    %add3A = arith.addi %mul3A_0, %arg0 : i32
    %mul3A_1 = arith.constant 128 : i32
    %mul3A_2 = arith.muli %add3A, %mul3A_1 : i32
    %iota3A = tpu.iota {dimensions = array<i32: 0>} : vector<16xi32>
    %add3A_3 = arith.constant 0 : i32
    %add3A_4 = arith.addi %mul3A_2, %add3A_3 : i32
    %add3A_5 = arith.constant 0 : i32
    %add3A_6 = arith.addi %add3A_4, %add3A_5 : i32
    %add3A_7 = arith.constant 2 : i32
    %add3A_8 = arith.addi %add3A_6, %add3A_7 : i32
    %add3A_9 = vector.broadcast %add3A_8 : i32 to vector<16xi32>
    %add3A_10 = arith.addi %add3A_9, %iota3A : vector<16xi32>
    %swap3A = arith.constant 0 : index
    %swap3A_11 = tpu.vector_load %arg6[%swap3A] {strides = array<i32>} : memref<32xi32, #tpu.memory_space<vmem>>, vector<16xi32>,
    %swap3A_12 = vector.shape_cast %swap3A_11 : vector<16xi32> to vector<16xi32>
    %swap3A_13 = vector.shape_cast %add3A_10 : vector<16xi32> to vector<16xi32>
    tpu.vector_store %arg6[%swap3A], %swap3A_13 {strides = array<i32>} : memref<32xi32, #tpu.memory_space<vmem>>, vector<16xi32>,
    %add3A_14 = arith.constant 0 : i32
    %add3A_15 = arith.addi %mul3A_2, %add3A_14 : i32
    %add3A_16 = arith.constant 16 : i32
    %add3A_17 = arith.addi %add3A_15, %add3A_16 : i32
    %add3A_18 = arith.constant 2 : i32
    %add3A_19 = arith.addi %add3A_17, %add3A_18 : i32
    %add3A_20 = vector.broadcast %add3A_19 : i32 to vector<16xi32>
    %add3A_21 = arith.addi %add3A_20, %iota3A : vector<16xi32>
    %swap3A_22 = arith.constant 16 : index
    %swap3A_23 = tpu.vector_load %arg6[%swap3A_22] {strides = array<i32>} : memref<32xi32, #tpu.memory_space<vmem>>, vector<16xi32>,
    %swap3A_24 = vector.shape_cast %swap3A_23 : vector<16xi32> to vector<16xi32>
    %swap3A_25 = vector.shape_cast %add3A_21 : vector<16xi32> to vector<16xi32>
    tpu.vector_store %arg6[%swap3A_22], %swap3A_25 {strides = array<i32>} : memref<32xi32, #tpu.memory_space<vmem>>, vector<16xi32>,
    %dma_start3A = arith.constant 0 : i32
    %dma_start3A_26 = arith.constant 0 : i32
    %dma_start3A_27 = tpu.memref_slice %arg3[%dma_start3A, %dma_start3A_26] : memref<8192x1024xf32, #tpu.memory_space<hbm>> -> memref<8192x1024xf32, #tpu.memory_space<hbm>>
    tpu.enqueue_indirect_dma source(%dma_start3A_27 : memref<8192x1024xf32, #tpu.memory_space<hbm>>) target(%arg8 : memref<32x1024xf32, #tpu.memory_space<vmem>>) offsets(%arg6 : memref<32xi32, #tpu.memory_space<vmem>>) semaphore(%arg10 : memref<!tpu.dma_semaphore, #tpu.memory_space<semaphore_mem>>)
    %add3A_28 = arith.constant 32 : i32
    %add3A_29 = arith.addi %mul3A_2, %add3A_28 : i32
    %add3A_30 = arith.constant 0 : i32
    %add3A_31 = arith.addi %add3A_29, %add3A_30 : i32
    %add3A_32 = arith.constant 2 : i32
    %add3A_33 = arith.addi %add3A_31, %add3A_32 : i32
    %add3A_34 = vector.broadcast %add3A_33 : i32 to vector<16xi32>
    %add3A_35 = arith.addi %add3A_34, %iota3A : vector<16xi32>
    %swap3A_36 = arith.constant 0 : index
    %swap3A_37 = tpu.vector_load %arg7[%swap3A_36] {strides = array<i32>} : memref<32xi32, #tpu.memory_space<vmem>>, vector<16xi32>,
    %swap3A_38 = vector.shape_cast %swap3A_37 : vector<16xi32> to vector<16xi32>
    %swap3A_39 = vector.shape_cast %add3A_35 : vector<16xi32> to vector<16xi32>
    tpu.vector_store %arg7[%swap3A_36], %swap3A_39 {strides = array<i32>} : memref<32xi32, #tpu.memory_space<vmem>>, vector<16xi32>,
    %add3A_40 = arith.constant 32 : i32
    %add3A_41 = arith.addi %mul3A_2, %add3A_40 : i32
    %add3A_42 = arith.constant 16 : i32
    %add3A_43 = arith.addi %add3A_41, %add3A_42 : i32
    %add3A_44 = arith.constant 2 : i32
    %add3A_45 = arith.addi %add3A_43, %add3A_44 : i32
    %add3A_46 = vector.broadcast %add3A_45 : i32 to vector<16xi32>
    %add3A_47 = arith.addi %add3A_46, %iota3A : vector<16xi32>
    %swap3A_48 = arith.constant 16 : index
    %swap3A_49 = tpu.vector_load %arg7[%swap3A_48] {strides = array<i32>} : memref<32xi32, #tpu.memory_space<vmem>>, vector<16xi32>,
    %swap3A_50 = vector.shape_cast %swap3A_49 : vector<16xi32> to vector<16xi32>
    %swap3A_51 = vector.shape_cast %add3A_47 : vector<16xi32> to vector<16xi32>
    tpu.vector_store %arg7[%swap3A_48], %swap3A_51 {strides = array<i32>} : memref<32xi32, #tpu.memory_space<vmem>>, vector<16xi32>,
    %dma_start3A_52 = arith.constant 0 : i32
    %dma_start3A_53 = arith.constant 0 : i32
    %dma_start3A_54 = tpu.memref_slice %arg3[%dma_start3A_52, %dma_start3A_53] : memref<8192x1024xf32, #tpu.memory_space<hbm>> -> memref<8192x1024xf32, #tpu.memory_space<hbm>>
    tpu.enqueue_indirect_dma source(%dma_start3A_54 : memref<8192x1024xf32, #tpu.memory_space<hbm>>) target(%arg9 : memref<32x1024xf32, #tpu.memory_space<vmem>>) offsets(%arg7 : memref<32xi32, #tpu.memory_space<vmem>>) semaphore(%arg11 : memref<!tpu.dma_semaphore, #tpu.memory_space<semaphore_mem>>)
    %dma_start3A_55 = arith.constant 0 : i32
    %dma_start3A_56 = tpu.memref_slice %arg2[%dma_start3A_55, %mul3A_2] : memref<4x4096xi32, #tpu.memory_space<hbm>> -> memref<4x128xi32, #tpu.memory_space<hbm>>
    %dma_start3A_57 = arith.constant 0 : i32
    %dma_start3A_58 = tpu.memref_slice %arg2[%dma_start3A_57, %mul3A_2] : memref<4x4096xi32, #tpu.memory_space<hbm>> -> memref<4x128xi32, #tpu.memory_space<hbm>>
    tpu.enqueue_dma source(%dma_start3A_58 : memref<4x128xi32, #tpu.memory_space<hbm>>) target(%arg5 : memref<4x128xi32, #tpu.memory_space<vmem>>) target_semaphore(%arg14 : memref<!tpu.dma_semaphore, #tpu.memory_space<semaphore_mem>>)
    %dma_wait3A = arith.constant 0 : i32
    %dma_wait3A_59 = arith.constant 0 : i32
    %dma_wait3A_60 = tpu.memref_slice %arg3[%dma_wait3A, %dma_wait3A_59] : memref<8192x1024xf32, #tpu.memory_space<hbm>> -> memref<8192x1024xf32, #tpu.memory_space<hbm>>
    tpu.wait_indirect_dma semaphore(%arg10 : memref<!tpu.dma_semaphore, #tpu.memory_space<semaphore_mem>>) src(%dma_wait3A_60 : memref<8192x1024xf32, #tpu.memory_space<hbm>>) dst(%arg8 : memref<32x1024xf32, #tpu.memory_space<vmem>>)
    %add3A_61 = arith.constant 0 : i32
    %add3A_62 = arith.addi %mul3A_2, %add3A_61 : i32
    %dma_start3A_63 = arith.constant 0 : i32
    %dma_start3A_64 = arith.constant 0 : i32
    %dma_start3A_65 = tpu.memref_slice %arg4[%dma_start3A_63, %add3A_62, %dma_start3A_64] : memref<4x4096x1024xf32, #tpu.memory_space<hbm>> -> memref<1x32x1024xf32, #tpu.memory_space<hbm>>
    %dma_start3A_66 = tpu.memref_squeeze %dma_start3A_65 : memref<1x32x1024xf32, #tpu.memory_space<hbm>> -> memref<32x1024xf32, #tpu.memory_space<hbm>>
    %dma_start3A_67 = arith.constant 0 : i32
    %dma_start3A_68 = tpu.memref_slice %arg4[%dma_start3A_63, %add3A_62, %dma_start3A_67] : memref<4x4096x1024xf32, #tpu.memory_space<hbm>> -> memref<1x32x1024xf32, #tpu.memory_space<hbm>>
    %dma_start3A_69 = tpu.memref_squeeze %dma_start3A_68 : memref<1x32x1024xf32, #tpu.memory_space<hbm>> -> memref<32x1024xf32, #tpu.memory_space<hbm>>
    tpu.enqueue_dma source(%arg8 : memref<32x1024xf32, #tpu.memory_space<vmem>>) target(%dma_start3A_69 : memref<32x1024xf32, #tpu.memory_space<hbm>>) target_semaphore(%arg12 : memref<!tpu.dma_semaphore, #tpu.memory_space<semaphore_mem>>)
    %add3A_70 = arith.constant 0 : i32
    %add3A_71 = arith.addi %mul3A_2, %add3A_70 : i32
    %dma_start3A_72 = arith.constant 1 : i32
    %dma_start3A_73 = arith.constant 0 : i32
    %dma_start3A_74 = tpu.memref_slice %arg4[%dma_start3A_72, %add3A_71, %dma_start3A_73] : memref<4x4096x1024xf32, #tpu.memory_space<hbm>> -> memref<1x32x1024xf32, #tpu.memory_space<hbm>>
    %dma_start3A_75 = tpu.memref_squeeze %dma_start3A_74 : memref<1x32x1024xf32, #tpu.memory_space<hbm>> -> memref<32x1024xf32, #tpu.memory_space<hbm>>
    %dma_start3A_76 = arith.constant 0 : i32
    %dma_start3A_77 = tpu.memref_slice %arg4[%dma_start3A_72, %add3A_71, %dma_start3A_76] : memref<4x4096x1024xf32, #tpu.memory_space<hbm>> -> memref<1x32x1024xf32, #tpu.memory_space<hbm>>
    %dma_start3A_78 = tpu.memref_squeeze %dma_start3A_77 : memref<1x32x1024xf32, #tpu.memory_space<hbm>> -> memref<32x1024xf32, #tpu.memory_space<hbm>>
    tpu.enqueue_dma source(%arg8 : memref<32x1024xf32, #tpu.memory_space<vmem>>) target(%dma_start3A_78 : memref<32x1024xf32, #tpu.memory_space<hbm>>) target_semaphore(%arg12 : memref<!tpu.dma_semaphore, #tpu.memory_space<semaphore_mem>>)
    %add3A_79 = arith.constant 0 : i32
    %add3A_80 = arith.addi %mul3A_2, %add3A_79 : i32
    %dma_start3A_81 = arith.constant 2 : i32
    %dma_start3A_82 = arith.constant 0 : i32
    %dma_start3A_83 = tpu.memref_slice %arg4[%dma_start3A_81, %add3A_80, %dma_start3A_82] : memref<4x4096x1024xf32, #tpu.memory_space<hbm>> -> memref<1x32x1024xf32, #tpu.memory_space<hbm>>
    %dma_start3A_84 = tpu.memref_squeeze %dma_start3A_83 : memref<1x32x1024xf32, #tpu.memory_space<hbm>> -> memref<32x1024xf32, #tpu.memory_space<hbm>>
    %dma_start3A_85 = arith.constant 0 : i32
    %dma_start3A_86 = tpu.memref_slice %arg4[%dma_start3A_81, %add3A_80, %dma_start3A_85] : memref<4x4096x1024xf32, #tpu.memory_space<hbm>> -> memref<1x32x1024xf32, #tpu.memory_space<hbm>>
    %dma_start3A_87 = tpu.memref_squeeze %dma_start3A_86 : memref<1x32x1024xf32, #tpu.memory_space<hbm>> -> memref<32x1024xf32, #tpu.memory_space<hbm>>
    tpu.enqueue_dma source(%arg8 : memref<32x1024xf32, #tpu.memory_space<vmem>>) target(%dma_start3A_87 : memref<32x1024xf32, #tpu.memory_space<hbm>>) target_semaphore(%arg12 : memref<!tpu.dma_semaphore, #tpu.memory_space<semaphore_mem>>)
    %add3A_88 = arith.constant 0 : i32
    %add3A_89 = arith.addi %mul3A_2, %add3A_88 : i32
    %dma_start3A_90 = arith.constant 3 : i32
    %dma_start3A_91 = arith.constant 0 : i32
    %dma_start3A_92 = tpu.memref_slice %arg4[%dma_start3A_90, %add3A_89, %dma_start3A_91] : memref<4x4096x1024xf32, #tpu.memory_space<hbm>> -> memref<1x32x1024xf32, #tpu.memory_space<hbm>>
    %dma_start3A_93 = tpu.memref_squeeze %dma_start3A_92 : memref<1x32x1024xf32, #tpu.memory_space<hbm>> -> memref<32x1024xf32, #tpu.memory_space<hbm>>
    %dma_start3A_94 = arith.constant 0 : i32
    %dma_start3A_95 = tpu.memref_slice %arg4[%dma_start3A_90, %add3A_89, %dma_start3A_94] : memref<4x4096x1024xf32, #tpu.memory_space<hbm>> -> memref<1x32x1024xf32, #tpu.memory_space<hbm>>
    %dma_start3A_96 = tpu.memref_squeeze %dma_start3A_95 : memref<1x32x1024xf32, #tpu.memory_space<hbm>> -> memref<32x1024xf32, #tpu.memory_space<hbm>>
    tpu.enqueue_dma source(%arg8 : memref<32x1024xf32, #tpu.memory_space<vmem>>) target(%dma_start3A_96 : memref<32x1024xf32, #tpu.memory_space<hbm>>) target_semaphore(%arg12 : memref<!tpu.dma_semaphore, #tpu.memory_space<semaphore_mem>>)
    %dma_wait3A_97 = arith.constant 0 : i32
    %dma_wait3A_98 = arith.constant 0 : i32
    %dma_wait3A_99 = tpu.memref_slice %arg3[%dma_wait3A_97, %dma_wait3A_98] : memref<8192x1024xf32, #tpu.memory_space<hbm>> -> memref<8192x1024xf32, #tpu.memory_space<hbm>>
    tpu.wait_indirect_dma semaphore(%arg11 : memref<!tpu.dma_semaphore, #tpu.memory_space<semaphore_mem>>) src(%dma_wait3A_99 : memref<8192x1024xf32, #tpu.memory_space<hbm>>) dst(%arg9 : memref<32x1024xf32, #tpu.memory_space<vmem>>)
    %add3A_100 = arith.constant 32 : i32
    %add3A_101 = arith.addi %mul3A_2, %add3A_100 : i32
    %dma_start3A_102 = arith.constant 0 : i32
    %dma_start3A_103 = arith.constant 0 : i32
    %dma_start3A_104 = tpu.memref_slice %arg4[%dma_start3A_102, %add3A_101, %dma_start3A_103] : memref<4x4096x1024xf32, #tpu.memory_space<hbm>> -> memref<1x32x1024xf32, #tpu.memory_space<hbm>>
    %dma_start3A_105 = tpu.memref_squeeze %dma_start3A_104 : memref<1x32x1024xf32, #tpu.memory_space<hbm>> -> memref<32x1024xf32, #tpu.memory_space<hbm>>
    %dma_start3A_106 = arith.constant 0 : i32
    %dma_start3A_107 = tpu.memref_slice %arg4[%dma_start3A_102, %add3A_101, %dma_start3A_106] : memref<4x4096x1024xf32, #tpu.memory_space<hbm>> -> memref<1x32x1024xf32, #tpu.memory_space<hbm>>
    %dma_start3A_108 = tpu.memref_squeeze %dma_start3A_107 : memref<1x32x1024xf32, #tpu.memory_space<hbm>> -> memref<32x1024xf32, #tpu.memory_space<hbm>>
    tpu.enqueue_dma source(%arg9 : memref<32x1024xf32, #tpu.memory_space<vmem>>) target(%dma_start3A_108 : memref<32x1024xf32, #tpu.memory_space<hbm>>) target_semaphore(%arg13 : memref<!tpu.dma_semaphore, #tpu.memory_space<semaphore_mem>>)
    %add3A_109 = arith.constant 32 : i32
    %add3A_110 = arith.addi %mul3A_2, %add3A_109 : i32
    %dma_start3A_111 = arith.constant 1 : i32
    %dma_start3A_112 = arith.constant 0 : i32
    %dma_start3A_113 = tpu.memref_slice %arg4[%dma_start3A_111, %add3A_110, %dma_start3A_112] : memref<4x4096x1024xf32, #tpu.memory_space<hbm>> -> memref<1x32x1024xf32, #tpu.memory_space<hbm>>
    %dma_start3A_114 = tpu.memref_squeeze %dma_start3A_113 : memref<1x32x1024xf32, #tpu.memory_space<hbm>> -> memref<32x1024xf32, #tpu.memory_space<hbm>>
    %dma_start3A_115 = arith.constant 0 : i32
    %dma_start3A_116 = tpu.memref_slice %arg4[%dma_start3A_111, %add3A_110, %dma_start3A_115] : memref<4x4096x1024xf32, #tpu.memory_space<hbm>> -> memref<1x32x1024xf32, #tpu.memory_space<hbm>>
    %dma_start3A_117 = tpu.memref_squeeze %dma_start3A_116 : memref<1x32x1024xf32, #tpu.memory_space<hbm>> -> memref<32x1024xf32, #tpu.memory_space<hbm>>
    tpu.enqueue_dma source(%arg9 : memref<32x1024xf32, #tpu.memory_space<vmem>>) target(%dma_start3A_117 : memref<32x1024xf32, #tpu.memory_space<hbm>>) target_semaphore(%arg13 : memref<!tpu.dma_semaphore, #tpu.memory_space<semaphore_mem>>)
    %add3A_118 = arith.constant 32 : i32
    %add3A_119 = arith.addi %mul3A_2, %add3A_118 : i32
    %dma_start3A_120 = arith.constant 2 : i32
    %dma_start3A_121 = arith.constant 0 : i32
    %dma_start3A_122 = tpu.memref_slice %arg4[%dma_start3A_120, %add3A_119, %dma_start3A_121] : memref<4x4096x1024xf32, #tpu.memory_space<hbm>> -> memref<1x32x1024xf32, #tpu.memory_space<hbm>>
    %dma_start3A_123 = tpu.memref_squeeze %dma_start3A_122 : memref<1x32x1024xf32, #tpu.memory_space<hbm>> -> memref<32x1024xf32, #tpu.memory_space<hbm>>
    %dma_start3A_124 = arith.constant 0 : i32
    %dma_start3A_125 = tpu.memref_slice %arg4[%dma_start3A_120, %add3A_119, %dma_start3A_124] : memref<4x4096x1024xf32, #tpu.memory_space<hbm>> -> memref<1x32x1024xf32, #tpu.memory_space<hbm>>
    %dma_start3A_126 = tpu.memref_squeeze %dma_start3A_125 : memref<1x32x1024xf32, #tpu.memory_space<hbm>> -> memref<32x1024xf32, #tpu.memory_space<hbm>>
    tpu.enqueue_dma source(%arg9 : memref<32x1024xf32, #tpu.memory_space<vmem>>) target(%dma_start3A_126 : memref<32x1024xf32, #tpu.memory_space<hbm>>) target_semaphore(%arg13 : memref<!tpu.dma_semaphore, #tpu.memory_space<semaphore_mem>>)
    %add3A_127 = arith.constant 32 : i32
    %add3A_128 = arith.addi %mul3A_2, %add3A_127 : i32
    %dma_start3A_129 = arith.constant 3 : i32
    %dma_start3A_130 = arith.constant 0 : i32
    %dma_start3A_131 = tpu.memref_slice %arg4[%dma_start3A_129, %add3A_128, %dma_start3A_130] : memref<4x4096x1024xf32, #tpu.memory_space<hbm>> -> memref<1x32x1024xf32, #tpu.memory_space<hbm>>
    %dma_start3A_132 = tpu.memref_squeeze %dma_start3A_131 : memref<1x32x1024xf32, #tpu.memory_space<hbm>> -> memref<32x1024xf32, #tpu.memory_space<hbm>>
    %dma_start3A_133 = arith.constant 0 : i32
    %dma_start3A_134 = tpu.memref_slice %arg4[%dma_start3A_129, %add3A_128, %dma_start3A_133] : memref<4x4096x1024xf32, #tpu.memory_space<hbm>> -> memref<1x32x1024xf32, #tpu.memory_space<hbm>>
    %dma_start3A_135 = tpu.memref_squeeze %dma_start3A_134 : memref<1x32x1024xf32, #tpu.memory_space<hbm>> -> memref<32x1024xf32, #tpu.memory_space<hbm>>
    tpu.enqueue_dma source(%arg9 : memref<32x1024xf32, #tpu.memory_space<vmem>>) target(%dma_start3A_135 : memref<32x1024xf32, #tpu.memory_space<hbm>>) target_semaphore(%arg13 : memref<!tpu.dma_semaphore, #tpu.memory_space<semaphore_mem>>)
    %dma_wait3A_136 = arith.constant 0 : i32
    %dma_wait3A_137 = tpu.memref_slice %arg2[%dma_wait3A_136, %mul3A_2] : memref<4x4096xi32, #tpu.memory_space<hbm>> -> memref<4x128xi32, #tpu.memory_space<hbm>>
    %dma_wait3A_138 = arith.constant 0 : i32
    %dma_wait3A_139 = tpu.memref_slice %arg2[%dma_wait3A_138, %mul3A_2] : memref<4x4096xi32, #tpu.memory_space<hbm>> -> memref<4x128xi32, #tpu.memory_space<hbm>>
    tpu.wait_dma2 semaphore(%arg14 : memref<!tpu.dma_semaphore, #tpu.memory_space<semaphore_mem>>) src(%dma_wait3A_139 : memref<4x128xi32, #tpu.memory_space<hbm>>) dst(%arg5 : memref<4x128xi32, #tpu.memory_space<vmem>>)
    %broadcast_in_dim3A = arith.constant 0 : i32
    %broadcast_in_dim3A_140 = vector.broadcast %broadcast_in_dim3A : i32 to vector<16xi32>
    %scan3A = arith.constant 0 : i32
    %scan3A_141 = arith.constant 32 : i32
    %scan3A_142 = arith.addi %scan3A, %scan3A_141 : i32
    %scan3A_143 = arith.constant 1 : i32
    %scan3A_144 = scf.for %scan3A_212 = %scan3A to %scan3A_142 step %scan3A_143 iter_args(%scan3A_213 = %broadcast_in_dim3A_140) -> (vector<16xi32>)  : i32 {
      %jit3A = arith.constant 8 : i32
      %div3A = arith.divsi %scan3A_212, %jit3A : i32
      %sign3A = arith.constant 0 : i32
      %sign3A_214 = arith.cmpi sgt, %scan3A_212, %sign3A : i32
      %sign3A_215 = arith.extui %sign3A_214 : i1 to i32
      %sign3A_216 = arith.constant 0 : i32
      %sign3A_217 = arith.cmpi slt, %scan3A_212, %sign3A_216 : i32
      %sign3A_218 = arith.extui %sign3A_217 : i1 to i32
      %sign3A_219 = arith.subi %sign3A_215, %sign3A_218 : i32
      %sign3A_220 = arith.constant 0 : i32
      %sign3A_221 = arith.cmpi sgt, %jit3A, %sign3A_220 : i32
      %sign3A_222 = arith.extui %sign3A_221 : i1 to i32
      %sign3A_223 = arith.constant 0 : i32
      %sign3A_224 = arith.cmpi slt, %jit3A, %sign3A_223 : i32
      %sign3A_225 = arith.extui %sign3A_224 : i1 to i32
      %sign3A_226 = arith.subi %sign3A_222, %sign3A_225 : i32
      %ne3A_227 = arith.cmpi ne, %sign3A_219, %sign3A_226 : i32
      %rem3A = arith.remsi %scan3A_212, %jit3A : i32
      %ne3A_228 = arith.constant 0 : i32
      %ne3A_229 = arith.cmpi ne, %rem3A, %ne3A_228 : i32
      %and3A = arith.andi %ne3A_227, %ne3A_229 : i1
      %sub3A = arith.constant 1 : i32
      %sub3A_230 = arith.subi %div3A, %sub3A : i32
      %select_n3A = arith.select %and3A, %sub3A_230, %div3A : i32
      %mul3A_231 = arith.constant 8 : i32
      %mul3A_232 = arith.muli %select_n3A, %mul3A_231 : i32
      %sub3A_233 = arith.subi %scan3A_212, %mul3A_232 : i32
      %mul3A_234 = arith.constant 16 : i32
      %mul3A_235 = arith.muli %sub3A_233, %mul3A_234 : i32
      %get3A = arith.index_cast %select_n3A : i32 to index
      %get3A_236 = arith.index_cast %mul3A_235 : i32 to index
      %get3A_237 = tpu.vector_load %arg5[%get3A, %get3A_236] {strides = array<i32>} : memref<4x128xi32, #tpu.memory_space<vmem>>, vector<1x16xi32>,
      %get3A_238 = vector.shape_cast %get3A_237 : vector<1x16xi32> to vector<16xi32>
      %eq3A_239 = arith.constant 1 : i32
      %eq3A_240 = vector.broadcast %eq3A_239 : i32 to vector<16xi32>
      %eq3A_241 = arith.cmpi eq, %get3A_238, %eq3A_240 : vector<16xi32>
      %jit3A_242 = arith.constant 1 : i32
      %jit3A_243 = arith.constant 0 : i32
      %broadcast_in_dim3A_244 = vector.broadcast %jit3A_242 : i32 to vector<16xi32>
      %broadcast_in_dim3A_245 = vector.broadcast %jit3A_243 : i32 to vector<16xi32>
      %select_n3A_246 = arith.select %eq3A_241, %broadcast_in_dim3A_244, %broadcast_in_dim3A_245 : vector<16xi1>, vector<16xi32>
      %or3A_247 = arith.ori %scan3A_213, %select_n3A_246 : vector<16xi32>
      scf.yield %or3A_247 : vector<16xi32>
    }
    %scan3A_145 = arith.constant 32 : i32
    %slice3A = vector.extract_strided_slice %scan3A_144 {offsets = [0], sizes = [1], strides = [1]} : vector<16xi32> to vector<1xi32>
    %squeeze3A = vector.extract %slice3A[0] : i32 from vector<1xi32>
    %slice3A_146 = vector.extract_strided_slice %scan3A_144 {offsets = [1], sizes = [1], strides = [1]} : vector<16xi32> to vector<1xi32>
    %squeeze3A_147 = vector.extract %slice3A_146[0] : i32 from vector<1xi32>
    %or3A = arith.ori %squeeze3A, %squeeze3A_147 : i32
    %slice3A_148 = vector.extract_strided_slice %scan3A_144 {offsets = [2], sizes = [1], strides = [1]} : vector<16xi32> to vector<1xi32>
    %squeeze3A_149 = vector.extract %slice3A_148[0] : i32 from vector<1xi32>
    %or3A_150 = arith.ori %or3A, %squeeze3A_149 : i32
    %slice3A_151 = vector.extract_strided_slice %scan3A_144 {offsets = [3], sizes = [1], strides = [1]} : vector<16xi32> to vector<1xi32>
    %squeeze3A_152 = vector.extract %slice3A_151[0] : i32 from vector<1xi32>
    %or3A_153 = arith.ori %or3A_150, %squeeze3A_152 : i32
    %slice3A_154 = vector.extract_strided_slice %scan3A_144 {offsets = [4], sizes = [1], strides = [1]} : vector<16xi32> to vector<1xi32>
    %squeeze3A_155 = vector.extract %slice3A_154[0] : i32 from vector<1xi32>
    %or3A_156 = arith.ori %or3A_153, %squeeze3A_155 : i32
    %slice3A_157 = vector.extract_strided_slice %scan3A_144 {offsets = [5], sizes = [1], strides = [1]} : vector<16xi32> to vector<1xi32>
    %squeeze3A_158 = vector.extract %slice3A_157[0] : i32 from vector<1xi32>
    %or3A_159 = arith.ori %or3A_156, %squeeze3A_158 : i32
    %slice3A_160 = vector.extract_strided_slice %scan3A_144 {offsets = [6], sizes = [1], strides = [1]} : vector<16xi32> to vector<1xi32>
    %squeeze3A_161 = vector.extract %slice3A_160[0] : i32 from vector<1xi32>
    %or3A_162 = arith.ori %or3A_159, %squeeze3A_161 : i32
    %slice3A_163 = vector.extract_strided_slice %scan3A_144 {offsets = [7], sizes = [1], strides = [1]} : vector<16xi32> to vector<1xi32>
    %squeeze3A_164 = vector.extract %slice3A_163[0] : i32 from vector<1xi32>
    %or3A_165 = arith.ori %or3A_162, %squeeze3A_164 : i32
    %slice3A_166 = vector.extract_strided_slice %scan3A_144 {offsets = [8], sizes = [1], strides = [1]} : vector<16xi32> to vector<1xi32>
    %squeeze3A_167 = vector.extract %slice3A_166[0] : i32 from vector<1xi32>
    %or3A_168 = arith.ori %or3A_165, %squeeze3A_167 : i32
    %slice3A_169 = vector.extract_strided_slice %scan3A_144 {offsets = [9], sizes = [1], strides = [1]} : vector<16xi32> to vector<1xi32>
    %squeeze3A_170 = vector.extract %slice3A_169[0] : i32 from vector<1xi32>
    %or3A_171 = arith.ori %or3A_168, %squeeze3A_170 : i32
    %slice3A_172 = vector.extract_strided_slice %scan3A_144 {offsets = [10], sizes = [1], strides = [1]} : vector<16xi32> to vector<1xi32>
    %squeeze3A_173 = vector.extract %slice3A_172[0] : i32 from vector<1xi32>
    %or3A_174 = arith.ori %or3A_171, %squeeze3A_173 : i32
    %slice3A_175 = vector.extract_strided_slice %scan3A_144 {offsets = [11], sizes = [1], strides = [1]} : vector<16xi32> to vector<1xi32>
    %squeeze3A_176 = vector.extract %slice3A_175[0] : i32 from vector<1xi32>
    %or3A_177 = arith.ori %or3A_174, %squeeze3A_176 : i32
    %slice3A_178 = vector.extract_strided_slice %scan3A_144 {offsets = [12], sizes = [1], strides = [1]} : vector<16xi32> to vector<1xi32>
    %squeeze3A_179 = vector.extract %slice3A_178[0] : i32 from vector<1xi32>
    %or3A_180 = arith.ori %or3A_177, %squeeze3A_179 : i32
    %slice3A_181 = vector.extract_strided_slice %scan3A_144 {offsets = [13], sizes = [1], strides = [1]} : vector<16xi32> to vector<1xi32>
    %squeeze3A_182 = vector.extract %slice3A_181[0] : i32 from vector<1xi32>
    %or3A_183 = arith.ori %or3A_180, %squeeze3A_182 : i32
    %slice3A_184 = vector.extract_strided_slice %scan3A_144 {offsets = [14], sizes = [1], strides = [1]} : vector<16xi32> to vector<1xi32>
    %squeeze3A_185 = vector.extract %slice3A_184[0] : i32 from vector<1xi32>
    %or3A_186 = arith.ori %or3A_183, %squeeze3A_185 : i32
    %slice3A_187 = vector.extract_strided_slice %scan3A_144 {offsets = [15], sizes = [1], strides = [1]} : vector<16xi32> to vector<1xi32>
    %squeeze3A_188 = vector.extract %slice3A_187[0] : i32 from vector<1xi32>
    %or3A_189 = arith.ori %or3A_186, %squeeze3A_188 : i32
    %eq3A = arith.constant 0 : i32
    %eq3A_190 = arith.cmpi eq, %or3A_189, %eq3A : i32
    %convert_element_type3A = arith.extui %eq3A_190 : i1 to i32
    %cond3A = arith.constant 0 : i32
    %cond3A_191 = arith.constant 1 : i32
    %cond3A_192 = arith.constant 2 : i32
    %cond3A_193 = arith.constant 3 : i32
    %cond3A_194 = arith.constant 0 : i32
    %cond3A_195 = arith.constant 1 : i32
    %cond3A_196 = arith.constant 2 : i32
    %cond3A_197 = arith.constant 3 : i32
    %cond3A_198 = arith.constant 0 : i32
    %cond3A_199 = arith.cmpi ne, %convert_element_type3A, %cond3A_198 : i32
    scf.if %cond3A_199 {
      %dma_wait3A_212 = arith.constant 0 : i32
      %dma_wait3A_213 = tpu.memref_slice %arg4[%cond3A, %add3A_62, %dma_wait3A_212] : memref<4x4096x1024xf32, #tpu.memory_space<hbm>> -> memref<1x32x1024xf32, #tpu.memory_space<hbm>>
      %dma_wait3A_214 = tpu.memref_squeeze %dma_wait3A_213 : memref<1x32x1024xf32, #tpu.memory_space<hbm>> -> memref<32x1024xf32, #tpu.memory_space<hbm>>
      %dma_wait3A_215 = arith.constant 0 : i32
      %dma_wait3A_216 = tpu.memref_slice %arg4[%cond3A, %add3A_62, %dma_wait3A_215] : memref<4x4096x1024xf32, #tpu.memory_space<hbm>> -> memref<1x32x1024xf32, #tpu.memory_space<hbm>>
      %dma_wait3A_217 = tpu.memref_squeeze %dma_wait3A_216 : memref<1x32x1024xf32, #tpu.memory_space<hbm>> -> memref<32x1024xf32, #tpu.memory_space<hbm>>
      tpu.wait_dma2 semaphore(%arg12 : memref<!tpu.dma_semaphore, #tpu.memory_space<semaphore_mem>>) src(%arg8 : memref<32x1024xf32, #tpu.memory_space<vmem>>) dst(%dma_wait3A_217 : memref<32x1024xf32, #tpu.memory_space<hbm>>)
      %dma_wait3A_218 = arith.constant 0 : i32
      %dma_wait3A_219 = tpu.memref_slice %arg4[%cond3A_191, %add3A_71, %dma_wait3A_218] : memref<4x4096x1024xf32, #tpu.memory_space<hbm>> -> memref<1x32x1024xf32, #tpu.memory_space<hbm>>
      %dma_wait3A_220 = tpu.memref_squeeze %dma_wait3A_219 : memref<1x32x1024xf32, #tpu.memory_space<hbm>> -> memref<32x1024xf32, #tpu.memory_space<hbm>>
      %dma_wait3A_221 = arith.constant 0 : i32
      %dma_wait3A_222 = tpu.memref_slice %arg4[%cond3A_191, %add3A_71, %dma_wait3A_221] : memref<4x4096x1024xf32, #tpu.memory_space<hbm>> -> memref<1x32x1024xf32, #tpu.memory_space<hbm>>
      %dma_wait3A_223 = tpu.memref_squeeze %dma_wait3A_222 : memref<1x32x1024xf32, #tpu.memory_space<hbm>> -> memref<32x1024xf32, #tpu.memory_space<hbm>>
      tpu.wait_dma2 semaphore(%arg12 : memref<!tpu.dma_semaphore, #tpu.memory_space<semaphore_mem>>) src(%arg8 : memref<32x1024xf32, #tpu.memory_space<vmem>>) dst(%dma_wait3A_223 : memref<32x1024xf32, #tpu.memory_space<hbm>>)
      %dma_wait3A_224 = arith.constant 0 : i32
      %dma_wait3A_225 = tpu.memref_slice %arg4[%cond3A_192, %add3A_80, %dma_wait3A_224] : memref<4x4096x1024xf32, #tpu.memory_space<hbm>> -> memref<1x32x1024xf32, #tpu.memory_space<hbm>>
      %dma_wait3A_226 = tpu.memref_squeeze %dma_wait3A_225 : memref<1x32x1024xf32, #tpu.memory_space<hbm>> -> memref<32x1024xf32, #tpu.memory_space<hbm>>
      %dma_wait3A_227 = arith.constant 0 : i32
      %dma_wait3A_228 = tpu.memref_slice %arg4[%cond3A_192, %add3A_80, %dma_wait3A_227] : memref<4x4096x1024xf32, #tpu.memory_space<hbm>> -> memref<1x32x1024xf32, #tpu.memory_space<hbm>>
      %dma_wait3A_229 = tpu.memref_squeeze %dma_wait3A_228 : memref<1x32x1024xf32, #tpu.memory_space<hbm>> -> memref<32x1024xf32, #tpu.memory_space<hbm>>
      tpu.wait_dma2 semaphore(%arg12 : memref<!tpu.dma_semaphore, #tpu.memory_space<semaphore_mem>>) src(%arg8 : memref<32x1024xf32, #tpu.memory_space<vmem>>) dst(%dma_wait3A_229 : memref<32x1024xf32, #tpu.memory_space<hbm>>)
      %dma_wait3A_230 = arith.constant 0 : i32
      %dma_wait3A_231 = tpu.memref_slice %arg4[%cond3A_193, %add3A_89, %dma_wait3A_230] : memref<4x4096x1024xf32, #tpu.memory_space<hbm>> -> memref<1x32x1024xf32, #tpu.memory_space<hbm>>
      %dma_wait3A_232 = tpu.memref_squeeze %dma_wait3A_231 : memref<1x32x1024xf32, #tpu.memory_space<hbm>> -> memref<32x1024xf32, #tpu.memory_space<hbm>>
      %dma_wait3A_233 = arith.constant 0 : i32
      %dma_wait3A_234 = tpu.memref_slice %arg4[%cond3A_193, %add3A_89, %dma_wait3A_233] : memref<4x4096x1024xf32, #tpu.memory_space<hbm>> -> memref<1x32x1024xf32, #tpu.memory_space<hbm>>
      %dma_wait3A_235 = tpu.memref_squeeze %dma_wait3A_234 : memref<1x32x1024xf32, #tpu.memory_space<hbm>> -> memref<32x1024xf32, #tpu.memory_space<hbm>>
      tpu.wait_dma2 semaphore(%arg12 : memref<!tpu.dma_semaphore, #tpu.memory_space<semaphore_mem>>) src(%arg8 : memref<32x1024xf32, #tpu.memory_space<vmem>>) dst(%dma_wait3A_235 : memref<32x1024xf32, #tpu.memory_space<hbm>>)
      %add3A_236 = arith.constant 64 : i32
      %add3A_237 = arith.addi %mul3A_2, %add3A_236 : i32
      %add3A_238 = arith.constant 0 : i32
      %add3A_239 = arith.addi %add3A_237, %add3A_238 : i32
      %add3A_240 = arith.constant 2 : i32
      %add3A_241 = arith.addi %add3A_239, %add3A_240 : i32
      %add3A_242 = vector.broadcast %add3A_241 : i32 to vector<16xi32>
      %add3A_243 = arith.addi %add3A_242, %iota3A : vector<16xi32>
      %swap3A_244 = arith.constant 0 : index
      %swap3A_245 = tpu.vector_load %arg6[%swap3A_244] {strides = array<i32>} : memref<32xi32, #tpu.memory_space<vmem>>, vector<16xi32>,
      %swap3A_246 = vector.shape_cast %swap3A_245 : vector<16xi32> to vector<16xi32>
      %swap3A_247 = vector.shape_cast %add3A_243 : vector<16xi32> to vector<16xi32>
      tpu.vector_store %arg6[%swap3A_244], %swap3A_247 {strides = array<i32>} : memref<32xi32, #tpu.memory_space<vmem>>, vector<16xi32>,
      %add3A_248 = arith.constant 64 : i32
      %add3A_249 = arith.addi %mul3A_2, %add3A_248 : i32
      %add3A_250 = arith.constant 16 : i32
      %add3A_251 = arith.addi %add3A_249, %add3A_250 : i32
      %add3A_252 = arith.constant 2 : i32
      %add3A_253 = arith.addi %add3A_251, %add3A_252 : i32
      %add3A_254 = vector.broadcast %add3A_253 : i32 to vector<16xi32>
      %add3A_255 = arith.addi %add3A_254, %iota3A : vector<16xi32>
      %swap3A_256 = arith.constant 16 : index
      %swap3A_257 = tpu.vector_load %arg6[%swap3A_256] {strides = array<i32>} : memref<32xi32, #tpu.memory_space<vmem>>, vector<16xi32>,
      %swap3A_258 = vector.shape_cast %swap3A_257 : vector<16xi32> to vector<16xi32>
      %swap3A_259 = vector.shape_cast %add3A_255 : vector<16xi32> to vector<16xi32>
      tpu.vector_store %arg6[%swap3A_256], %swap3A_259 {strides = array<i32>} : memref<32xi32, #tpu.memory_space<vmem>>, vector<16xi32>,
      %dma_start3A_260 = arith.constant 0 : i32
      %dma_start3A_261 = arith.constant 0 : i32
      %dma_start3A_262 = tpu.memref_slice %arg3[%dma_start3A_260, %dma_start3A_261] : memref<8192x1024xf32, #tpu.memory_space<hbm>> -> memref<8192x1024xf32, #tpu.memory_space<hbm>>
      tpu.enqueue_indirect_dma source(%dma_start3A_262 : memref<8192x1024xf32, #tpu.memory_space<hbm>>) target(%arg8 : memref<32x1024xf32, #tpu.memory_space<vmem>>) offsets(%arg6 : memref<32xi32, #tpu.memory_space<vmem>>) semaphore(%arg10 : memref<!tpu.dma_semaphore, #tpu.memory_space<semaphore_mem>>)
      %dma_wait3A_263 = arith.constant 0 : i32
      %dma_wait3A_264 = arith.constant 0 : i32
      %dma_wait3A_265 = tpu.memref_slice %arg3[%dma_wait3A_263, %dma_wait3A_264] : memref<8192x1024xf32, #tpu.memory_space<hbm>> -> memref<8192x1024xf32, #tpu.memory_space<hbm>>
      tpu.wait_indirect_dma semaphore(%arg10 : memref<!tpu.dma_semaphore, #tpu.memory_space<semaphore_mem>>) src(%dma_wait3A_265 : memref<8192x1024xf32, #tpu.memory_space<hbm>>) dst(%arg8 : memref<32x1024xf32, #tpu.memory_space<vmem>>)
      %add3A_266 = arith.constant 64 : i32
      %add3A_267 = arith.addi %mul3A_2, %add3A_266 : i32
      %dma_start3A_268 = arith.constant 0 : i32
      %dma_start3A_269 = arith.constant 0 : i32
      %dma_start3A_270 = tpu.memref_slice %arg4[%dma_start3A_268, %add3A_267, %dma_start3A_269] : memref<4x4096x1024xf32, #tpu.memory_space<hbm>> -> memref<1x32x1024xf32, #tpu.memory_space<hbm>>
      %dma_start3A_271 = tpu.memref_squeeze %dma_start3A_270 : memref<1x32x1024xf32, #tpu.memory_space<hbm>> -> memref<32x1024xf32, #tpu.memory_space<hbm>>
      %dma_start3A_272 = arith.constant 0 : i32
      %dma_start3A_273 = tpu.memref_slice %arg4[%dma_start3A_268, %add3A_267, %dma_start3A_272] : memref<4x4096x1024xf32, #tpu.memory_space<hbm>> -> memref<1x32x1024xf32, #tpu.memory_space<hbm>>
      %dma_start3A_274 = tpu.memref_squeeze %dma_start3A_273 : memref<1x32x1024xf32, #tpu.memory_space<hbm>> -> memref<32x1024xf32, #tpu.memory_space<hbm>>
      tpu.enqueue_dma source(%arg8 : memref<32x1024xf32, #tpu.memory_space<vmem>>) target(%dma_start3A_274 : memref<32x1024xf32, #tpu.memory_space<hbm>>) target_semaphore(%arg12 : memref<!tpu.dma_semaphore, #tpu.memory_space<semaphore_mem>>)
      %add3A_275 = arith.constant 64 : i32
      %add3A_276 = arith.addi %mul3A_2, %add3A_275 : i32
      %dma_start3A_277 = arith.constant 1 : i32
      %dma_start3A_278 = arith.constant 0 : i32
      %dma_start3A_279 = tpu.memref_slice %arg4[%dma_start3A_277, %add3A_276, %dma_start3A_278] : memref<4x4096x1024xf32, #tpu.memory_space<hbm>> -> memref<1x32x1024xf32, #tpu.memory_space<hbm>>
      %dma_start3A_280 = tpu.memref_squeeze %dma_start3A_279 : memref<1x32x1024xf32, #tpu.memory_space<hbm>> -> memref<32x1024xf32, #tpu.memory_space<hbm>>
      %dma_start3A_281 = arith.constant 0 : i32
      %dma_start3A_282 = tpu.memref_slice %arg4[%dma_start3A_277, %add3A_276, %dma_start3A_281] : memref<4x4096x1024xf32, #tpu.memory_space<hbm>> -> memref<1x32x1024xf32, #tpu.memory_space<hbm>>
      %dma_start3A_283 = tpu.memref_squeeze %dma_start3A_282 : memref<1x32x1024xf32, #tpu.memory_space<hbm>> -> memref<32x1024xf32, #tpu.memory_space<hbm>>
      tpu.enqueue_dma source(%arg8 : memref<32x1024xf32, #tpu.memory_space<vmem>>) target(%dma_start3A_283 : memref<32x1024xf32, #tpu.memory_space<hbm>>) target_semaphore(%arg12 : memref<!tpu.dma_semaphore, #tpu.memory_space<semaphore_mem>>)
      %add3A_284 = arith.constant 64 : i32
      %add3A_285 = arith.addi %mul3A_2, %add3A_284 : i32
      %dma_start3A_286 = arith.constant 2 : i32
      %dma_start3A_287 = arith.constant 0 : i32
      %dma_start3A_288 = tpu.memref_slice %arg4[%dma_start3A_286, %add3A_285, %dma_start3A_287] : memref<4x4096x1024xf32, #tpu.memory_space<hbm>> -> memref<1x32x1024xf32, #tpu.memory_space<hbm>>
      %dma_start3A_289 = tpu.memref_squeeze %dma_start3A_288 : memref<1x32x1024xf32, #tpu.memory_space<hbm>> -> memref<32x1024xf32, #tpu.memory_space<hbm>>
      %dma_start3A_290 = arith.constant 0 : i32
      %dma_start3A_291 = tpu.memref_slice %arg4[%dma_start3A_286, %add3A_285, %dma_start3A_290] : memref<4x4096x1024xf32, #tpu.memory_space<hbm>> -> memref<1x32x1024xf32, #tpu.memory_space<hbm>>
      %dma_start3A_292 = tpu.memref_squeeze %dma_start3A_291 : memref<1x32x1024xf32, #tpu.memory_space<hbm>> -> memref<32x1024xf32, #tpu.memory_space<hbm>>
      tpu.enqueue_dma source(%arg8 : memref<32x1024xf32, #tpu.memory_space<vmem>>) target(%dma_start3A_292 : memref<32x1024xf32, #tpu.memory_space<hbm>>) target_semaphore(%arg12 : memref<!tpu.dma_semaphore, #tpu.memory_space<semaphore_mem>>)
      %add3A_293 = arith.constant 64 : i32
      %add3A_294 = arith.addi %mul3A_2, %add3A_293 : i32
      %dma_start3A_295 = arith.constant 3 : i32
      %dma_start3A_296 = arith.constant 0 : i32
      %dma_start3A_297 = tpu.memref_slice %arg4[%dma_start3A_295, %add3A_294, %dma_start3A_296] : memref<4x4096x1024xf32, #tpu.memory_space<hbm>> -> memref<1x32x1024xf32, #tpu.memory_space<hbm>>
      %dma_start3A_298 = tpu.memref_squeeze %dma_start3A_297 : memref<1x32x1024xf32, #tpu.memory_space<hbm>> -> memref<32x1024xf32, #tpu.memory_space<hbm>>
      %dma_start3A_299 = arith.constant 0 : i32
      %dma_start3A_300 = tpu.memref_slice %arg4[%dma_start3A_295, %add3A_294, %dma_start3A_299] : memref<4x4096x1024xf32, #tpu.memory_space<hbm>> -> memref<1x32x1024xf32, #tpu.memory_space<hbm>>
      %dma_start3A_301 = tpu.memref_squeeze %dma_start3A_300 : memref<1x32x1024xf32, #tpu.memory_space<hbm>> -> memref<32x1024xf32, #tpu.memory_space<hbm>>
      tpu.enqueue_dma source(%arg8 : memref<32x1024xf32, #tpu.memory_space<vmem>>) target(%dma_start3A_301 : memref<32x1024xf32, #tpu.memory_space<hbm>>) target_semaphore(%arg12 : memref<!tpu.dma_semaphore, #tpu.memory_space<semaphore_mem>>)
      %dma_wait3A_302 = arith.constant 0 : i32
      %dma_wait3A_303 = tpu.memref_slice %arg4[%cond3A_194, %add3A_101, %dma_wait3A_302] : memref<4x4096x1024xf32, #tpu.memory_space<hbm>> -> memref<1x32x1024xf32, #tpu.memory_space<hbm>>
      %dma_wait3A_304 = tpu.memref_squeeze %dma_wait3A_303 : memref<1x32x1024xf32, #tpu.memory_space<hbm>> -> memref<32x1024xf32, #tpu.memory_space<hbm>>
      %dma_wait3A_305 = arith.constant 0 : i32
      %dma_wait3A_306 = tpu.memref_slice %arg4[%cond3A_194, %add3A_101, %dma_wait3A_305] : memref<4x4096x1024xf32, #tpu.memory_space<hbm>> -> memref<1x32x1024xf32, #tpu.memory_space<hbm>>
      %dma_wait3A_307 = tpu.memref_squeeze %dma_wait3A_306 : memref<1x32x1024xf32, #tpu.memory_space<hbm>> -> memref<32x1024xf32, #tpu.memory_space<hbm>>
      tpu.wait_dma2 semaphore(%arg13 : memref<!tpu.dma_semaphore, #tpu.memory_space<semaphore_mem>>) src(%arg9 : memref<32x1024xf32, #tpu.memory_space<vmem>>) dst(%dma_wait3A_307 : memref<32x1024xf32, #tpu.memory_space<hbm>>)
      %dma_wait3A_308 = arith.constant 0 : i32
      %dma_wait3A_309 = tpu.memref_slice %arg4[%cond3A_195, %add3A_110, %dma_wait3A_308] : memref<4x4096x1024xf32, #tpu.memory_space<hbm>> -> memref<1x32x1024xf32, #tpu.memory_space<hbm>>
      %dma_wait3A_310 = tpu.memref_squeeze %dma_wait3A_309 : memref<1x32x1024xf32, #tpu.memory_space<hbm>> -> memref<32x1024xf32, #tpu.memory_space<hbm>>
      %dma_wait3A_311 = arith.constant 0 : i32
      %dma_wait3A_312 = tpu.memref_slice %arg4[%cond3A_195, %add3A_110, %dma_wait3A_311] : memref<4x4096x1024xf32, #tpu.memory_space<hbm>> -> memref<1x32x1024xf32, #tpu.memory_space<hbm>>
      %dma_wait3A_313 = tpu.memref_squeeze %dma_wait3A_312 : memref<1x32x1024xf32, #tpu.memory_space<hbm>> -> memref<32x1024xf32, #tpu.memory_space<hbm>>
      tpu.wait_dma2 semaphore(%arg13 : memref<!tpu.dma_semaphore, #tpu.memory_space<semaphore_mem>>) src(%arg9 : memref<32x1024xf32, #tpu.memory_space<vmem>>) dst(%dma_wait3A_313 : memref<32x1024xf32, #tpu.memory_space<hbm>>)
      %dma_wait3A_314 = arith.constant 0 : i32
      %dma_wait3A_315 = tpu.memref_slice %arg4[%cond3A_196, %add3A_119, %dma_wait3A_314] : memref<4x4096x1024xf32, #tpu.memory_space<hbm>> -> memref<1x32x1024xf32, #tpu.memory_space<hbm>>
      %dma_wait3A_316 = tpu.memref_squeeze %dma_wait3A_315 : memref<1x32x1024xf32, #tpu.memory_space<hbm>> -> memref<32x1024xf32, #tpu.memory_space<hbm>>
      %dma_wait3A_317 = arith.constant 0 : i32
      %dma_wait3A_318 = tpu.memref_slice %arg4[%cond3A_196, %add3A_119, %dma_wait3A_317] : memref<4x4096x1024xf32, #tpu.memory_space<hbm>> -> memref<1x32x1024xf32, #tpu.memory_space<hbm>>
      %dma_wait3A_319 = tpu.memref_squeeze %dma_wait3A_318 : memref<1x32x1024xf32, #tpu.memory_space<hbm>> -> memref<32x1024xf32, #tpu.memory_space<hbm>>
      tpu.wait_dma2 semaphore(%arg13 : memref<!tpu.dma_semaphore, #tpu.memory_space<semaphore_mem>>) src(%arg9 : memref<32x1024xf32, #tpu.memory_space<vmem>>) dst(%dma_wait3A_319 : memref<32x1024xf32, #tpu.memory_space<hbm>>)
      %dma_wait3A_320 = arith.constant 0 : i32
      %dma_wait3A_321 = tpu.memref_slice %arg4[%cond3A_197, %add3A_128, %dma_wait3A_320] : memref<4x4096x1024xf32, #tpu.memory_space<hbm>> -> memref<1x32x1024xf32, #tpu.memory_space<hbm>>
      %dma_wait3A_322 = tpu.memref_squeeze %dma_wait3A_321 : memref<1x32x1024xf32, #tpu.memory_space<hbm>> -> memref<32x1024xf32, #tpu.memory_space<hbm>>
      %dma_wait3A_323 = arith.constant 0 : i32
      %dma_wait3A_324 = tpu.memref_slice %arg4[%cond3A_197, %add3A_128, %dma_wait3A_323] : memref<4x4096x1024xf32, #tpu.memory_space<hbm>> -> memref<1x32x1024xf32, #tpu.memory_space<hbm>>
      %dma_wait3A_325 = tpu.memref_squeeze %dma_wait3A_324 : memref<1x32x1024xf32, #tpu.memory_space<hbm>> -> memref<32x1024xf32, #tpu.memory_space<hbm>>
      tpu.wait_dma2 semaphore(%arg13 : memref<!tpu.dma_semaphore, #tpu.memory_space<semaphore_mem>>) src(%arg9 : memref<32x1024xf32, #tpu.memory_space<vmem>>) dst(%dma_wait3A_325 : memref<32x1024xf32, #tpu.memory_space<hbm>>)
      %add3A_326 = arith.constant 96 : i32
      %add3A_327 = arith.addi %mul3A_2, %add3A_326 : i32
      %add3A_328 = arith.constant 0 : i32
      %add3A_329 = arith.addi %add3A_327, %add3A_328 : i32
      %add3A_330 = arith.constant 2 : i32
      %add3A_331 = arith.addi %add3A_329, %add3A_330 : i32
      %add3A_332 = vector.broadcast %add3A_331 : i32 to vector<16xi32>
      %add3A_333 = arith.addi %add3A_332, %iota3A : vector<16xi32>
      %swap3A_334 = arith.constant 0 : index
      %swap3A_335 = tpu.vector_load %arg7[%swap3A_334] {strides = array<i32>} : memref<32xi32, #tpu.memory_space<vmem>>, vector<16xi32>,
      %swap3A_336 = vector.shape_cast %swap3A_335 : vector<16xi32> to vector<16xi32>
      %swap3A_337 = vector.shape_cast %add3A_333 : vector<16xi32> to vector<16xi32>
      tpu.vector_store %arg7[%swap3A_334], %swap3A_337 {strides = array<i32>} : memref<32xi32, #tpu.memory_space<vmem>>, vector<16xi32>,
      %add3A_338 = arith.constant 96 : i32
      %add3A_339 = arith.addi %mul3A_2, %add3A_338 : i32
      %add3A_340 = arith.constant 16 : i32
      %add3A_341 = arith.addi %add3A_339, %add3A_340 : i32
      %add3A_342 = arith.constant 2 : i32
      %add3A_343 = arith.addi %add3A_341, %add3A_342 : i32
      %add3A_344 = vector.broadcast %add3A_343 : i32 to vector<16xi32>
      %add3A_345 = arith.addi %add3A_344, %iota3A : vector<16xi32>
      %swap3A_346 = arith.constant 16 : index
      %swap3A_347 = tpu.vector_load %arg7[%swap3A_346] {strides = array<i32>} : memref<32xi32, #tpu.memory_space<vmem>>, vector<16xi32>,
      %swap3A_348 = vector.shape_cast %swap3A_347 : vector<16xi32> to vector<16xi32>
      %swap3A_349 = vector.shape_cast %add3A_345 : vector<16xi32> to vector<16xi32>
      tpu.vector_store %arg7[%swap3A_346], %swap3A_349 {strides = array<i32>} : memref<32xi32, #tpu.memory_space<vmem>>, vector<16xi32>,
      %dma_start3A_350 = arith.constant 0 : i32
      %dma_start3A_351 = arith.constant 0 : i32
      %dma_start3A_352 = tpu.memref_slice %arg3[%dma_start3A_350, %dma_start3A_351] : memref<8192x1024xf32, #tpu.memory_space<hbm>> -> memref<8192x1024xf32, #tpu.memory_space<hbm>>
      tpu.enqueue_indirect_dma source(%dma_start3A_352 : memref<8192x1024xf32, #tpu.memory_space<hbm>>) target(%arg9 : memref<32x1024xf32, #tpu.memory_space<vmem>>) offsets(%arg7 : memref<32xi32, #tpu.memory_space<vmem>>) semaphore(%arg11 : memref<!tpu.dma_semaphore, #tpu.memory_space<semaphore_mem>>)
      %dma_wait3A_353 = arith.constant 0 : i32
      %dma_wait3A_354 = arith.constant 0 : i32
      %dma_wait3A_355 = tpu.memref_slice %arg3[%dma_wait3A_353, %dma_wait3A_354] : memref<8192x1024xf32, #tpu.memory_space<hbm>> -> memref<8192x1024xf32, #tpu.memory_space<hbm>>
      tpu.wait_indirect_dma semaphore(%arg11 : memref<!tpu.dma_semaphore, #tpu.memory_space<semaphore_mem>>) src(%dma_wait3A_355 : memref<8192x1024xf32, #tpu.memory_space<hbm>>) dst(%arg9 : memref<32x1024xf32, #tpu.memory_space<vmem>>)
      %add3A_356 = arith.constant 96 : i32
      %add3A_357 = arith.addi %mul3A_2, %add3A_356 : i32
      %dma_start3A_358 = arith.constant 0 : i32
      %dma_start3A_359 = arith.constant 0 : i32
      %dma_start3A_360 = tpu.memref_slice %arg4[%dma_start3A_358, %add3A_357, %dma_start3A_359] : memref<4x4096x1024xf32, #tpu.memory_space<hbm>> -> memref<1x32x1024xf32, #tpu.memory_space<hbm>>
      %dma_start3A_361 = tpu.memref_squeeze %dma_start3A_360 : memref<1x32x1024xf32, #tpu.memory_space<hbm>> -> memref<32x1024xf32, #tpu.memory_space<hbm>>
      %dma_start3A_362 = arith.constant 0 : i32
      %dma_start3A_363 = tpu.memref_slice %arg4[%dma_start3A_358, %add3A_357, %dma_start3A_362] : memref<4x4096x1024xf32, #tpu.memory_space<hbm>> -> memref<1x32x1024xf32, #tpu.memory_space<hbm>>
      %dma_start3A_364 = tpu.memref_squeeze %dma_start3A_363 : memref<1x32x1024xf32, #tpu.memory_space<hbm>> -> memref<32x1024xf32, #tpu.memory_space<hbm>>
      tpu.enqueue_dma source(%arg9 : memref<32x1024xf32, #tpu.memory_space<vmem>>) target(%dma_start3A_364 : memref<32x1024xf32, #tpu.memory_space<hbm>>) target_semaphore(%arg13 : memref<!tpu.dma_semaphore, #tpu.memory_space<semaphore_mem>>)
      %add3A_365 = arith.constant 96 : i32
      %add3A_366 = arith.addi %mul3A_2, %add3A_365 : i32
      %dma_start3A_367 = arith.constant 1 : i32
      %dma_start3A_368 = arith.constant 0 : i32
      %dma_start3A_369 = tpu.memref_slice %arg4[%dma_start3A_367, %add3A_366, %dma_start3A_368] : memref<4x4096x1024xf32, #tpu.memory_space<hbm>> -> memref<1x32x1024xf32, #tpu.memory_space<hbm>>
      %dma_start3A_370 = tpu.memref_squeeze %dma_start3A_369 : memref<1x32x1024xf32, #tpu.memory_space<hbm>> -> memref<32x1024xf32, #tpu.memory_space<hbm>>
      %dma_start3A_371 = arith.constant 0 : i32
      %dma_start3A_372 = tpu.memref_slice %arg4[%dma_start3A_367, %add3A_366, %dma_start3A_371] : memref<4x4096x1024xf32, #tpu.memory_space<hbm>> -> memref<1x32x1024xf32, #tpu.memory_space<hbm>>
      %dma_start3A_373 = tpu.memref_squeeze %dma_start3A_372 : memref<1x32x1024xf32, #tpu.memory_space<hbm>> -> memref<32x1024xf32, #tpu.memory_space<hbm>>
      tpu.enqueue_dma source(%arg9 : memref<32x1024xf32, #tpu.memory_space<vmem>>) target(%dma_start3A_373 : memref<32x1024xf32, #tpu.memory_space<hbm>>) target_semaphore(%arg13 : memref<!tpu.dma_semaphore, #tpu.memory_space<semaphore_mem>>)
      %add3A_374 = arith.constant 96 : i32
      %add3A_375 = arith.addi %mul3A_2, %add3A_374 : i32
      %dma_start3A_376 = arith.constant 2 : i32
      %dma_start3A_377 = arith.constant 0 : i32
      %dma_start3A_378 = tpu.memref_slice %arg4[%dma_start3A_376, %add3A_375, %dma_start3A_377] : memref<4x4096x1024xf32, #tpu.memory_space<hbm>> -> memref<1x32x1024xf32, #tpu.memory_space<hbm>>
      %dma_start3A_379 = tpu.memref_squeeze %dma_start3A_378 : memref<1x32x1024xf32, #tpu.memory_space<hbm>> -> memref<32x1024xf32, #tpu.memory_space<hbm>>
      %dma_start3A_380 = arith.constant 0 : i32
      %dma_start3A_381 = tpu.memref_slice %arg4[%dma_start3A_376, %add3A_375, %dma_start3A_380] : memref<4x4096x1024xf32, #tpu.memory_space<hbm>> -> memref<1x32x1024xf32, #tpu.memory_space<hbm>>
      %dma_start3A_382 = tpu.memref_squeeze %dma_start3A_381 : memref<1x32x1024xf32, #tpu.memory_space<hbm>> -> memref<32x1024xf32, #tpu.memory_space<hbm>>
      tpu.enqueue_dma source(%arg9 : memref<32x1024xf32, #tpu.memory_space<vmem>>) target(%dma_start3A_382 : memref<32x1024xf32, #tpu.memory_space<hbm>>) target_semaphore(%arg13 : memref<!tpu.dma_semaphore, #tpu.memory_space<semaphore_mem>>)
      %add3A_383 = arith.constant 96 : i32
      %add3A_384 = arith.addi %mul3A_2, %add3A_383 : i32
      %dma_start3A_385 = arith.constant 3 : i32
      %dma_start3A_386 = arith.constant 0 : i32
      %dma_start3A_387 = tpu.memref_slice %arg4[%dma_start3A_385, %add3A_384, %dma_start3A_386] : memref<4x4096x1024xf32, #tpu.memory_space<hbm>> -> memref<1x32x1024xf32, #tpu.memory_space<hbm>>
      %dma_start3A_388 = tpu.memref_squeeze %dma_start3A_387 : memref<1x32x1024xf32, #tpu.memory_space<hbm>> -> memref<32x1024xf32, #tpu.memory_space<hbm>>
      %dma_start3A_389 = arith.constant 0 : i32
      %dma_start3A_390 = tpu.memref_slice %arg4[%dma_start3A_385, %add3A_384, %dma_start3A_389] : memref<4x4096x1024xf32, #tpu.memory_space<hbm>> -> memref<1x32x1024xf32, #tpu.memory_space<hbm>>
      %dma_start3A_391 = tpu.memref_squeeze %dma_start3A_390 : memref<1x32x1024xf32, #tpu.memory_space<hbm>> -> memref<32x1024xf32, #tpu.memory_space<hbm>>
      tpu.enqueue_dma source(%arg9 : memref<32x1024xf32, #tpu.memory_space<vmem>>) target(%dma_start3A_391 : memref<32x1024xf32, #tpu.memory_space<hbm>>) target_semaphore(%arg13 : memref<!tpu.dma_semaphore, #tpu.memory_space<semaphore_mem>>)
      %dma_wait3A_392 = arith.constant 0 : i32
      %dma_wait3A_393 = arith.constant 0 : i32
      %dma_wait3A_394 = tpu.memref_slice %arg4[%dma_wait3A_392, %add3A_267, %dma_wait3A_393] : memref<4x4096x1024xf32, #tpu.memory_space<hbm>> -> memref<1x32x1024xf32, #tpu.memory_space<hbm>>
      %dma_wait3A_395 = tpu.memref_squeeze %dma_wait3A_394 : memref<1x32x1024xf32, #tpu.memory_space<hbm>> -> memref<32x1024xf32, #tpu.memory_space<hbm>>
      %dma_wait3A_396 = arith.constant 0 : i32
      %dma_wait3A_397 = tpu.memref_slice %arg4[%dma_wait3A_392, %add3A_267, %dma_wait3A_396] : memref<4x4096x1024xf32, #tpu.memory_space<hbm>> -> memref<1x32x1024xf32, #tpu.memory_space<hbm>>
      %dma_wait3A_398 = tpu.memref_squeeze %dma_wait3A_397 : memref<1x32x1024xf32, #tpu.memory_space<hbm>> -> memref<32x1024xf32, #tpu.memory_space<hbm>>
      tpu.wait_dma2 semaphore(%arg12 : memref<!tpu.dma_semaphore, #tpu.memory_space<semaphore_mem>>) src(%arg8 : memref<32x1024xf32, #tpu.memory_space<vmem>>) dst(%dma_wait3A_398 : memref<32x1024xf32, #tpu.memory_space<hbm>>)
      %dma_wait3A_399 = arith.constant 1 : i32
      %dma_wait3A_400 = arith.constant 0 : i32
      %dma_wait3A_401 = tpu.memref_slice %arg4[%dma_wait3A_399, %add3A_276, %dma_wait3A_400] : memref<4x4096x1024xf32, #tpu.memory_space<hbm>> -> memref<1x32x1024xf32, #tpu.memory_space<hbm>>
      %dma_wait3A_402 = tpu.memref_squeeze %dma_wait3A_401 : memref<1x32x1024xf32, #tpu.memory_space<hbm>> -> memref<32x1024xf32, #tpu.memory_space<hbm>>
      %dma_wait3A_403 = arith.constant 0 : i32
      %dma_wait3A_404 = tpu.memref_slice %arg4[%dma_wait3A_399, %add3A_276, %dma_wait3A_403] : memref<4x4096x1024xf32, #tpu.memory_space<hbm>> -> memref<1x32x1024xf32, #tpu.memory_space<hbm>>
      %dma_wait3A_405 = tpu.memref_squeeze %dma_wait3A_404 : memref<1x32x1024xf32, #tpu.memory_space<hbm>> -> memref<32x1024xf32, #tpu.memory_space<hbm>>
      tpu.wait_dma2 semaphore(%arg12 : memref<!tpu.dma_semaphore, #tpu.memory_space<semaphore_mem>>) src(%arg8 : memref<32x1024xf32, #tpu.memory_space<vmem>>) dst(%dma_wait3A_405 : memref<32x1024xf32, #tpu.memory_space<hbm>>)
      %dma_wait3A_406 = arith.constant 2 : i32
      %dma_wait3A_407 = arith.constant 0 : i32
      %dma_wait3A_408 = tpu.memref_slice %arg4[%dma_wait3A_406, %add3A_285, %dma_wait3A_407] : memref<4x4096x1024xf32, #tpu.memory_space<hbm>> -> memref<1x32x1024xf32, #tpu.memory_space<hbm>>
      %dma_wait3A_409 = tpu.memref_squeeze %dma_wait3A_408 : memref<1x32x1024xf32, #tpu.memory_space<hbm>> -> memref<32x1024xf32, #tpu.memory_space<hbm>>
      %dma_wait3A_410 = arith.constant 0 : i32
      %dma_wait3A_411 = tpu.memref_slice %arg4[%dma_wait3A_406, %add3A_285, %dma_wait3A_410] : memref<4x4096x1024xf32, #tpu.memory_space<hbm>> -> memref<1x32x1024xf32, #tpu.memory_space<hbm>>
      %dma_wait3A_412 = tpu.memref_squeeze %dma_wait3A_411 : memref<1x32x1024xf32, #tpu.memory_space<hbm>> -> memref<32x1024xf32, #tpu.memory_space<hbm>>
      tpu.wait_dma2 semaphore(%arg12 : memref<!tpu.dma_semaphore, #tpu.memory_space<semaphore_mem>>) src(%arg8 : memref<32x1024xf32, #tpu.memory_space<vmem>>) dst(%dma_wait3A_412 : memref<32x1024xf32, #tpu.memory_space<hbm>>)
      %dma_wait3A_413 = arith.constant 3 : i32
      %dma_wait3A_414 = arith.constant 0 : i32
      %dma_wait3A_415 = tpu.memref_slice %arg4[%dma_wait3A_413, %add3A_294, %dma_wait3A_414] : memref<4x4096x1024xf32, #tpu.memory_space<hbm>> -> memref<1x32x1024xf32, #tpu.memory_space<hbm>>
      %dma_wait3A_416 = tpu.memref_squeeze %dma_wait3A_415 : memref<1x32x1024xf32, #tpu.memory_space<hbm>> -> memref<32x1024xf32, #tpu.memory_space<hbm>>
      %dma_wait3A_417 = arith.constant 0 : i32
      %dma_wait3A_418 = tpu.memref_slice %arg4[%dma_wait3A_413, %add3A_294, %dma_wait3A_417] : memref<4x4096x1024xf32, #tpu.memory_space<hbm>> -> memref<1x32x1024xf32, #tpu.memory_space<hbm>>
      %dma_wait3A_419 = tpu.memref_squeeze %dma_wait3A_418 : memref<1x32x1024xf32, #tpu.memory_space<hbm>> -> memref<32x1024xf32, #tpu.memory_space<hbm>>
      tpu.wait_dma2 semaphore(%arg12 : memref<!tpu.dma_semaphore, #tpu.memory_space<semaphore_mem>>) src(%arg8 : memref<32x1024xf32, #tpu.memory_space<vmem>>) dst(%dma_wait3A_419 : memref<32x1024xf32, #tpu.memory_space<hbm>>)
      %dma_wait3A_420 = arith.constant 0 : i32
      %dma_wait3A_421 = arith.constant 0 : i32
      %dma_wait3A_422 = tpu.memref_slice %arg4[%dma_wait3A_420, %add3A_357, %dma_wait3A_421] : memref<4x4096x1024xf32, #tpu.memory_space<hbm>> -> memref<1x32x1024xf32, #tpu.memory_space<hbm>>
      %dma_wait3A_423 = tpu.memref_squeeze %dma_wait3A_422 : memref<1x32x1024xf32, #tpu.memory_space<hbm>> -> memref<32x1024xf32, #tpu.memory_space<hbm>>
      %dma_wait3A_424 = arith.constant 0 : i32
      %dma_wait3A_425 = tpu.memref_slice %arg4[%dma_wait3A_420, %add3A_357, %dma_wait3A_424] : memref<4x4096x1024xf32, #tpu.memory_space<hbm>> -> memref<1x32x1024xf32, #tpu.memory_space<hbm>>
      %dma_wait3A_426 = tpu.memref_squeeze %dma_wait3A_425 : memref<1x32x1024xf32, #tpu.memory_space<hbm>> -> memref<32x1024xf32, #tpu.memory_space<hbm>>
      tpu.wait_dma2 semaphore(%arg13 : memref<!tpu.dma_semaphore, #tpu.memory_space<semaphore_mem>>) src(%arg9 : memref<32x1024xf32, #tpu.memory_space<vmem>>) dst(%dma_wait3A_426 : memref<32x1024xf32, #tpu.memory_space<hbm>>)
      %dma_wait3A_427 = arith.constant 1 : i32
      %dma_wait3A_428 = arith.constant 0 : i32
      %dma_wait3A_429 = tpu.memref_slice %arg4[%dma_wait3A_427, %add3A_366, %dma_wait3A_428] : memref<4x4096x1024xf32, #tpu.memory_space<hbm>> -> memref<1x32x1024xf32, #tpu.memory_space<hbm>>
      %dma_wait3A_430 = tpu.memref_squeeze %dma_wait3A_429 : memref<1x32x1024xf32, #tpu.memory_space<hbm>> -> memref<32x1024xf32, #tpu.memory_space<hbm>>
      %dma_wait3A_431 = arith.constant 0 : i32
      %dma_wait3A_432 = tpu.memref_slice %arg4[%dma_wait3A_427, %add3A_366, %dma_wait3A_431] : memref<4x4096x1024xf32, #tpu.memory_space<hbm>> -> memref<1x32x1024xf32, #tpu.memory_space<hbm>>
      %dma_wait3A_433 = tpu.memref_squeeze %dma_wait3A_432 : memref<1x32x1024xf32, #tpu.memory_space<hbm>> -> memref<32x1024xf32, #tpu.memory_space<hbm>>
      tpu.wait_dma2 semaphore(%arg13 : memref<!tpu.dma_semaphore, #tpu.memory_space<semaphore_mem>>) src(%arg9 : memref<32x1024xf32, #tpu.memory_space<vmem>>) dst(%dma_wait3A_433 : memref<32x1024xf32, #tpu.memory_space<hbm>>)
      %dma_wait3A_434 = arith.constant 2 : i32
      %dma_wait3A_435 = arith.constant 0 : i32
      %dma_wait3A_436 = tpu.memref_slice %arg4[%dma_wait3A_434, %add3A_375, %dma_wait3A_435] : memref<4x4096x1024xf32, #tpu.memory_space<hbm>> -> memref<1x32x1024xf32, #tpu.memory_space<hbm>>
      %dma_wait3A_437 = tpu.memref_squeeze %dma_wait3A_436 : memref<1x32x1024xf32, #tpu.memory_space<hbm>> -> memref<32x1024xf32, #tpu.memory_space<hbm>>
      %dma_wait3A_438 = arith.constant 0 : i32
      %dma_wait3A_439 = tpu.memref_slice %arg4[%dma_wait3A_434, %add3A_375, %dma_wait3A_438] : memref<4x4096x1024xf32, #tpu.memory_space<hbm>> -> memref<1x32x1024xf32, #tpu.memory_space<hbm>>
      %dma_wait3A_440 = tpu.memref_squeeze %dma_wait3A_439 : memref<1x32x1024xf32, #tpu.memory_space<hbm>> -> memref<32x1024xf32, #tpu.memory_space<hbm>>
      tpu.wait_dma2 semaphore(%arg13 : memref<!tpu.dma_semaphore, #tpu.memory_space<semaphore_mem>>) src(%arg9 : memref<32x1024xf32, #tpu.memory_space<vmem>>) dst(%dma_wait3A_440 : memref<32x1024xf32, #tpu.memory_space<hbm>>)
      %dma_wait3A_441 = arith.constant 3 : i32
      %dma_wait3A_442 = arith.constant 0 : i32
      %dma_wait3A_443 = tpu.memref_slice %arg4[%dma_wait3A_441, %add3A_384, %dma_wait3A_442] : memref<4x4096x1024xf32, #tpu.memory_space<hbm>> -> memref<1x32x1024xf32, #tpu.memory_space<hbm>>
      %dma_wait3A_444 = tpu.memref_squeeze %dma_wait3A_443 : memref<1x32x1024xf32, #tpu.memory_space<hbm>> -> memref<32x1024xf32, #tpu.memory_space<hbm>>
      %dma_wait3A_445 = arith.constant 0 : i32
      %dma_wait3A_446 = tpu.memref_slice %arg4[%dma_wait3A_441, %add3A_384, %dma_wait3A_445] : memref<4x4096x1024xf32, #tpu.memory_space<hbm>> -> memref<1x32x1024xf32, #tpu.memory_space<hbm>>
      %dma_wait3A_447 = tpu.memref_squeeze %dma_wait3A_446 : memref<1x32x1024xf32, #tpu.memory_space<hbm>> -> memref<32x1024xf32, #tpu.memory_space<hbm>>
      tpu.wait_dma2 semaphore(%arg13 : memref<!tpu.dma_semaphore, #tpu.memory_space<semaphore_mem>>) src(%arg9 : memref<32x1024xf32, #tpu.memory_space<vmem>>) dst(%dma_wait3A_447 : memref<32x1024xf32, #tpu.memory_space<hbm>>)
    } else {
    }
    %ne3A = arith.constant 0 : i32
    %ne3A_200 = arith.cmpi ne, %or3A_189, %ne3A : i32
    %convert_element_type3A_201 = arith.extui %ne3A_200 : i1 to i32
    %cond3A_202 = arith.constant 0 : i32
    %cond3A_203 = arith.constant 1 : i32
    %cond3A_204 = arith.constant 2 : i32
    %cond3A_205 = arith.constant 3 : i32
    %cond3A_206 = arith.constant 0 : i32
    %cond3A_207 = arith.constant 1 : i32
    %cond3A_208 = arith.constant 2 : i32
    %cond3A_209 = arith.constant 3 : i32
    %cond3A_210 = arith.constant 0 : i32
    %cond3A_211 = arith.cmpi ne, %convert_element_type3A_201, %cond3A_210 : i32
    scf.if %cond3A_211 {
      %dma_wait3A_212 = arith.constant 0 : i32
      %dma_wait3A_213 = tpu.memref_slice %arg4[%cond3A_202, %add3A_62, %dma_wait3A_212] : memref<4x4096x1024xf32, #tpu.memory_space<hbm>> -> memref<1x32x1024xf32, #tpu.memory_space<hbm>>
      %dma_wait3A_214 = tpu.memref_squeeze %dma_wait3A_213 : memref<1x32x1024xf32, #tpu.memory_space<hbm>> -> memref<32x1024xf32, #tpu.memory_space<hbm>>
      %dma_wait3A_215 = arith.constant 0 : i32
      %dma_wait3A_216 = tpu.memref_slice %arg4[%cond3A_202, %add3A_62, %dma_wait3A_215] : memref<4x4096x1024xf32, #tpu.memory_space<hbm>> -> memref<1x32x1024xf32, #tpu.memory_space<hbm>>
      %dma_wait3A_217 = tpu.memref_squeeze %dma_wait3A_216 : memref<1x32x1024xf32, #tpu.memory_space<hbm>> -> memref<32x1024xf32, #tpu.memory_space<hbm>>
      tpu.wait_dma2 semaphore(%arg12 : memref<!tpu.dma_semaphore, #tpu.memory_space<semaphore_mem>>) src(%arg8 : memref<32x1024xf32, #tpu.memory_space<vmem>>) dst(%dma_wait3A_217 : memref<32x1024xf32, #tpu.memory_space<hbm>>)
      %dma_wait3A_218 = arith.constant 0 : i32
      %dma_wait3A_219 = tpu.memref_slice %arg4[%cond3A_203, %add3A_71, %dma_wait3A_218] : memref<4x4096x1024xf32, #tpu.memory_space<hbm>> -> memref<1x32x1024xf32, #tpu.memory_space<hbm>>
      %dma_wait3A_220 = tpu.memref_squeeze %dma_wait3A_219 : memref<1x32x1024xf32, #tpu.memory_space<hbm>> -> memref<32x1024xf32, #tpu.memory_space<hbm>>
      %dma_wait3A_221 = arith.constant 0 : i32
      %dma_wait3A_222 = tpu.memref_slice %arg4[%cond3A_203, %add3A_71, %dma_wait3A_221] : memref<4x4096x1024xf32, #tpu.memory_space<hbm>> -> memref<1x32x1024xf32, #tpu.memory_space<hbm>>
      %dma_wait3A_223 = tpu.memref_squeeze %dma_wait3A_222 : memref<1x32x1024xf32, #tpu.memory_space<hbm>> -> memref<32x1024xf32, #tpu.memory_space<hbm>>
      tpu.wait_dma2 semaphore(%arg12 : memref<!tpu.dma_semaphore, #tpu.memory_space<semaphore_mem>>) src(%arg8 : memref<32x1024xf32, #tpu.memory_space<vmem>>) dst(%dma_wait3A_223 : memref<32x1024xf32, #tpu.memory_space<hbm>>)
      %dma_wait3A_224 = arith.constant 0 : i32
      %dma_wait3A_225 = tpu.memref_slice %arg4[%cond3A_204, %add3A_80, %dma_wait3A_224] : memref<4x4096x1024xf32, #tpu.memory_space<hbm>> -> memref<1x32x1024xf32, #tpu.memory_space<hbm>>
      %dma_wait3A_226 = tpu.memref_squeeze %dma_wait3A_225 : memref<1x32x1024xf32, #tpu.memory_space<hbm>> -> memref<32x1024xf32, #tpu.memory_space<hbm>>
      %dma_wait3A_227 = arith.constant 0 : i32
      %dma_wait3A_228 = tpu.memref_slice %arg4[%cond3A_204, %add3A_80, %dma_wait3A_227] : memref<4x4096x1024xf32, #tpu.memory_space<hbm>> -> memref<1x32x1024xf32, #tpu.memory_space<hbm>>
      %dma_wait3A_229 = tpu.memref_squeeze %dma_wait3A_228 : memref<1x32x1024xf32, #tpu.memory_space<hbm>> -> memref<32x1024xf32, #tpu.memory_space<hbm>>
      tpu.wait_dma2 semaphore(%arg12 : memref<!tpu.dma_semaphore, #tpu.memory_space<semaphore_mem>>) src(%arg8 : memref<32x1024xf32, #tpu.memory_space<vmem>>) dst(%dma_wait3A_229 : memref<32x1024xf32, #tpu.memory_space<hbm>>)
      %dma_wait3A_230 = arith.constant 0 : i32
      %dma_wait3A_231 = tpu.memref_slice %arg4[%cond3A_205, %add3A_89, %dma_wait3A_230] : memref<4x4096x1024xf32, #tpu.memory_space<hbm>> -> memref<1x32x1024xf32, #tpu.memory_space<hbm>>
      %dma_wait3A_232 = tpu.memref_squeeze %dma_wait3A_231 : memref<1x32x1024xf32, #tpu.memory_space<hbm>> -> memref<32x1024xf32, #tpu.memory_space<hbm>>
      %dma_wait3A_233 = arith.constant 0 : i32
      %dma_wait3A_234 = tpu.memref_slice %arg4[%cond3A_205, %add3A_89, %dma_wait3A_233] : memref<4x4096x1024xf32, #tpu.memory_space<hbm>> -> memref<1x32x1024xf32, #tpu.memory_space<hbm>>
      %dma_wait3A_235 = tpu.memref_squeeze %dma_wait3A_234 : memref<1x32x1024xf32, #tpu.memory_space<hbm>> -> memref<32x1024xf32, #tpu.memory_space<hbm>>
      tpu.wait_dma2 semaphore(%arg12 : memref<!tpu.dma_semaphore, #tpu.memory_space<semaphore_mem>>) src(%arg8 : memref<32x1024xf32, #tpu.memory_space<vmem>>) dst(%dma_wait3A_235 : memref<32x1024xf32, #tpu.memory_space<hbm>>)
      %dma_wait3A_236 = arith.constant 0 : i32
      %dma_wait3A_237 = tpu.memref_slice %arg4[%cond3A_206, %add3A_101, %dma_wait3A_236] : memref<4x4096x1024xf32, #tpu.memory_space<hbm>> -> memref<1x32x1024xf32, #tpu.memory_space<hbm>>
      %dma_wait3A_238 = tpu.memref_squeeze %dma_wait3A_237 : memref<1x32x1024xf32, #tpu.memory_space<hbm>> -> memref<32x1024xf32, #tpu.memory_space<hbm>>
      %dma_wait3A_239 = arith.constant 0 : i32
      %dma_wait3A_240 = tpu.memref_slice %arg4[%cond3A_206, %add3A_101, %dma_wait3A_239] : memref<4x4096x1024xf32, #tpu.memory_space<hbm>> -> memref<1x32x1024xf32, #tpu.memory_space<hbm>>
      %dma_wait3A_241 = tpu.memref_squeeze %dma_wait3A_240 : memref<1x32x1024xf32, #tpu.memory_space<hbm>> -> memref<32x1024xf32, #tpu.memory_space<hbm>>
      tpu.wait_dma2 semaphore(%arg13 : memref<!tpu.dma_semaphore, #tpu.memory_space<semaphore_mem>>) src(%arg9 : memref<32x1024xf32, #tpu.memory_space<vmem>>) dst(%dma_wait3A_241 : memref<32x1024xf32, #tpu.memory_space<hbm>>)
      %dma_wait3A_242 = arith.constant 0 : i32
      %dma_wait3A_243 = tpu.memref_slice %arg4[%cond3A_207, %add3A_110, %dma_wait3A_242] : memref<4x4096x1024xf32, #tpu.memory_space<hbm>> -> memref<1x32x1024xf32, #tpu.memory_space<hbm>>
      %dma_wait3A_244 = tpu.memref_squeeze %dma_wait3A_243 : memref<1x32x1024xf32, #tpu.memory_space<hbm>> -> memref<32x1024xf32, #tpu.memory_space<hbm>>
      %dma_wait3A_245 = arith.constant 0 : i32
      %dma_wait3A_246 = tpu.memref_slice %arg4[%cond3A_207, %add3A_110, %dma_wait3A_245] : memref<4x4096x1024xf32, #tpu.memory_space<hbm>> -> memref<1x32x1024xf32, #tpu.memory_space<hbm>>
      %dma_wait3A_247 = tpu.memref_squeeze %dma_wait3A_246 : memref<1x32x1024xf32, #tpu.memory_space<hbm>> -> memref<32x1024xf32, #tpu.memory_space<hbm>>
      tpu.wait_dma2 semaphore(%arg13 : memref<!tpu.dma_semaphore, #tpu.memory_space<semaphore_mem>>) src(%arg9 : memref<32x1024xf32, #tpu.memory_space<vmem>>) dst(%dma_wait3A_247 : memref<32x1024xf32, #tpu.memory_space<hbm>>)
      %dma_wait3A_248 = arith.constant 0 : i32
      %dma_wait3A_249 = tpu.memref_slice %arg4[%cond3A_208, %add3A_119, %dma_wait3A_248] : memref<4x4096x1024xf32, #tpu.memory_space<hbm>> -> memref<1x32x1024xf32, #tpu.memory_space<hbm>>
      %dma_wait3A_250 = tpu.memref_squeeze %dma_wait3A_249 : memref<1x32x1024xf32, #tpu.memory_space<hbm>> -> memref<32x1024xf32, #tpu.memory_space<hbm>>
      %dma_wait3A_251 = arith.constant 0 : i32
      %dma_wait3A_252 = tpu.memref_slice %arg4[%cond3A_208, %add3A_119, %dma_wait3A_251] : memref<4x4096x1024xf32, #tpu.memory_space<hbm>> -> memref<1x32x1024xf32, #tpu.memory_space<hbm>>
      %dma_wait3A_253 = tpu.memref_squeeze %dma_wait3A_252 : memref<1x32x1024xf32, #tpu.memory_space<hbm>> -> memref<32x1024xf32, #tpu.memory_space<hbm>>
      tpu.wait_dma2 semaphore(%arg13 : memref<!tpu.dma_semaphore, #tpu.memory_space<semaphore_mem>>) src(%arg9 : memref<32x1024xf32, #tpu.memory_space<vmem>>) dst(%dma_wait3A_253 : memref<32x1024xf32, #tpu.memory_space<hbm>>)
      %dma_wait3A_254 = arith.constant 0 : i32
      %dma_wait3A_255 = tpu.memref_slice %arg4[%cond3A_209, %add3A_128, %dma_wait3A_254] : memref<4x4096x1024xf32, #tpu.memory_space<hbm>> -> memref<1x32x1024xf32, #tpu.memory_space<hbm>>
      %dma_wait3A_256 = tpu.memref_squeeze %dma_wait3A_255 : memref<1x32x1024xf32, #tpu.memory_space<hbm>> -> memref<32x1024xf32, #tpu.memory_space<hbm>>
      %dma_wait3A_257 = arith.constant 0 : i32
      %dma_wait3A_258 = tpu.memref_slice %arg4[%cond3A_209, %add3A_128, %dma_wait3A_257] : memref<4x4096x1024xf32, #tpu.memory_space<hbm>> -> memref<1x32x1024xf32, #tpu.memory_space<hbm>>
      %dma_wait3A_259 = tpu.memref_squeeze %dma_wait3A_258 : memref<1x32x1024xf32, #tpu.memory_space<hbm>> -> memref<32x1024xf32, #tpu.memory_space<hbm>>
      tpu.wait_dma2 semaphore(%arg13 : memref<!tpu.dma_semaphore, #tpu.memory_space<semaphore_mem>>) src(%arg9 : memref<32x1024xf32, #tpu.memory_space<vmem>>) dst(%dma_wait3A_259 : memref<32x1024xf32, #tpu.memory_space<hbm>>)
      %scan3A_260 = arith.constant 0 : i32
      %scan3A_261 = arith.constant 0 : i32
      %scan3A_262 = arith.constant 16 : i32
      %scan3A_263 = arith.addi %scan3A_261, %scan3A_262 : i32
      %scan3A_264 = arith.constant 1 : i32
      scf.for %scan3A_266 = %scan3A_261 to %scan3A_263 step %scan3A_264  : i32 {
        %jit3A = arith.constant 4 : i32
        %div3A = arith.divsi %scan3A_266, %jit3A : i32
        %sign3A = arith.constant 0 : i32
        %sign3A_267 = arith.cmpi sgt, %scan3A_266, %sign3A : i32
        %sign3A_268 = arith.extui %sign3A_267 : i1 to i32
        %sign3A_269 = arith.constant 0 : i32
        %sign3A_270 = arith.cmpi slt, %scan3A_266, %sign3A_269 : i32
        %sign3A_271 = arith.extui %sign3A_270 : i1 to i32
        %sign3A_272 = arith.subi %sign3A_268, %sign3A_271 : i32
        %sign3A_273 = arith.constant 0 : i32
        %sign3A_274 = arith.cmpi sgt, %jit3A, %sign3A_273 : i32
        %sign3A_275 = arith.extui %sign3A_274 : i1 to i32
        %sign3A_276 = arith.constant 0 : i32
        %sign3A_277 = arith.cmpi slt, %jit3A, %sign3A_276 : i32
        %sign3A_278 = arith.extui %sign3A_277 : i1 to i32
        %sign3A_279 = arith.subi %sign3A_275, %sign3A_278 : i32
        %ne3A_280 = arith.cmpi ne, %sign3A_272, %sign3A_279 : i32
        %rem3A = arith.remsi %scan3A_266, %jit3A : i32
        %ne3A_281 = arith.constant 0 : i32
        %ne3A_282 = arith.cmpi ne, %rem3A, %ne3A_281 : i32
        %and3A = arith.andi %ne3A_280, %ne3A_282 : i1
        %sub3A = arith.constant 1 : i32
        %sub3A_283 = arith.subi %div3A, %sub3A : i32
        %select_n3A = arith.select %and3A, %sub3A_283, %div3A : i32
        %mul3A_284 = arith.constant 4 : i32
        %mul3A_285 = arith.muli %select_n3A, %mul3A_284 : i32
        %sub3A_286 = arith.subi %scan3A_266, %mul3A_285 : i32
        %scan3A_287 = arith.constant 0 : i32
        %scan3A_288 = arith.constant 0 : i32
        %scan3A_289 = arith.constant 2 : i32
        %scan3A_290 = arith.addi %scan3A_288, %scan3A_289 : i32
        %scan3A_291 = arith.constant 1 : i32
        scf.for %scan3A_314 = %scan3A_288 to %scan3A_290 step %scan3A_291  : i32 {
          %mul3A_315 = arith.constant 32 : i32
          %mul3A_316 = arith.muli %sub3A_286, %mul3A_315 : i32
          %mul3A_317 = arith.constant 16 : i32
          %mul3A_318 = arith.muli %scan3A_314, %mul3A_317 : i32
          %add3A_319 = arith.addi %mul3A_316, %mul3A_318 : i32
          %get3A = arith.index_cast %select_n3A : i32 to index
          %get3A_320 = arith.index_cast %add3A_319 : i32 to index
          %get3A_321 = tpu.vector_load %arg5[%get3A, %get3A_320] {strides = array<i32>} : memref<4x128xi32, #tpu.memory_space<vmem>>, vector<1x16xi32>,
          %get3A_322 = vector.shape_cast %get3A_321 : vector<1x16xi32> to vector<16xi32>
          %mul3A_323 = arith.constant 32 : i32
          %mul3A_324 = arith.muli %sub3A_286, %mul3A_323 : i32
          %add3A_325 = arith.addi %mul3A_2, %mul3A_324 : i32
          %mul3A_326 = arith.constant 16 : i32
          %mul3A_327 = arith.muli %scan3A_314, %mul3A_326 : i32
          %add3A_328 = arith.addi %add3A_325, %mul3A_327 : i32
          %add3A_329 = arith.constant 2 : i32
          %add3A_330 = arith.addi %add3A_328, %add3A_329 : i32
          %add3A_331 = vector.broadcast %add3A_330 : i32 to vector<16xi32>
          %add3A_332 = arith.addi %add3A_331, %iota3A : vector<16xi32>
          %ne3A_333 = arith.constant 1 : i32
          %ne3A_334 = vector.broadcast %ne3A_333 : i32 to vector<16xi32>
          %ne3A_335 = arith.cmpi ne, %get3A_322, %ne3A_334 : vector<16xi32>
          %jit3A_336 = arith.constant 1 : i32
          %broadcast_in_dim3A_337 = vector.broadcast %jit3A_336 : i32 to vector<16xi32>
          %select_n3A_338 = arith.select %ne3A_335, %add3A_332, %broadcast_in_dim3A_337 : vector<16xi1>, vector<16xi32>
          %mul3A_339 = arith.constant 16 : i32
          %mul3A_340 = arith.muli %scan3A_314, %mul3A_339 : i32
          %swap3A_341 = arith.index_cast %mul3A_340 : i32 to index
          %swap3A_342 = tpu.vector_load %arg6[%swap3A_341] {strides = array<i32>} : memref<32xi32, #tpu.memory_space<vmem>>, vector<16xi32>,
          %swap3A_343 = vector.shape_cast %swap3A_342 : vector<16xi32> to vector<16xi32>
          %swap3A_344 = vector.shape_cast %select_n3A_338 : vector<16xi32> to vector<16xi32>
          tpu.vector_store %arg6[%swap3A_341], %swap3A_344 {strides = array<i32>} : memref<32xi32, #tpu.memory_space<vmem>>, vector<16xi32>,
        }
        %scan3A_292 = arith.constant 2 : i32
        %dma_start3A_293 = arith.constant 0 : i32
        %dma_start3A_294 = arith.constant 0 : i32
        %dma_start3A_295 = tpu.memref_slice %arg3[%dma_start3A_293, %dma_start3A_294] : memref<8192x1024xf32, #tpu.memory_space<hbm>> -> memref<8192x1024xf32, #tpu.memory_space<hbm>>
        tpu.enqueue_indirect_dma source(%dma_start3A_295 : memref<8192x1024xf32, #tpu.memory_space<hbm>>) target(%arg8 : memref<32x1024xf32, #tpu.memory_space<vmem>>) offsets(%arg6 : memref<32xi32, #tpu.memory_space<vmem>>) semaphore(%arg10 : memref<!tpu.dma_semaphore, #tpu.memory_space<semaphore_mem>>)
        %dma_wait3A_296 = arith.constant 0 : i32
        %dma_wait3A_297 = arith.constant 0 : i32
        %dma_wait3A_298 = tpu.memref_slice %arg3[%dma_wait3A_296, %dma_wait3A_297] : memref<8192x1024xf32, #tpu.memory_space<hbm>> -> memref<8192x1024xf32, #tpu.memory_space<hbm>>
        tpu.wait_indirect_dma semaphore(%arg10 : memref<!tpu.dma_semaphore, #tpu.memory_space<semaphore_mem>>) src(%dma_wait3A_298 : memref<8192x1024xf32, #tpu.memory_space<hbm>>) dst(%arg8 : memref<32x1024xf32, #tpu.memory_space<vmem>>)
        %mul3A_299 = arith.constant 32 : i32
        %mul3A_300 = arith.muli %sub3A_286, %mul3A_299 : i32
        %add3A_301 = arith.addi %mul3A_2, %mul3A_300 : i32
        %multiple_of3A = tpu.assume_multiple %add3A_301, 8 : i32
        %dma_start3A_302 = arith.constant 0 : i32
        %dma_start3A_303 = tpu.memref_slice %arg4[%select_n3A, %multiple_of3A, %dma_start3A_302] : memref<4x4096x1024xf32, #tpu.memory_space<hbm>> -> memref<1x32x1024xf32, #tpu.memory_space<hbm>>
        %dma_start3A_304 = tpu.memref_squeeze %dma_start3A_303 : memref<1x32x1024xf32, #tpu.memory_space<hbm>> -> memref<32x1024xf32, #tpu.memory_space<hbm>>
        %dma_start3A_305 = arith.constant 0 : i32
        %dma_start3A_306 = tpu.memref_slice %arg4[%select_n3A, %multiple_of3A, %dma_start3A_305] : memref<4x4096x1024xf32, #tpu.memory_space<hbm>> -> memref<1x32x1024xf32, #tpu.memory_space<hbm>>
        %dma_start3A_307 = tpu.memref_squeeze %dma_start3A_306 : memref<1x32x1024xf32, #tpu.memory_space<hbm>> -> memref<32x1024xf32, #tpu.memory_space<hbm>>
        tpu.enqueue_dma source(%arg8 : memref<32x1024xf32, #tpu.memory_space<vmem>>) target(%dma_start3A_307 : memref<32x1024xf32, #tpu.memory_space<hbm>>) target_semaphore(%arg12 : memref<!tpu.dma_semaphore, #tpu.memory_space<semaphore_mem>>)
        %dma_wait3A_308 = arith.constant 0 : i32
        %dma_wait3A_309 = tpu.memref_slice %arg4[%select_n3A, %multiple_of3A, %dma_wait3A_308] : memref<4x4096x1024xf32, #tpu.memory_space<hbm>> -> memref<1x32x1024xf32, #tpu.memory_space<hbm>>
        %dma_wait3A_310 = tpu.memref_squeeze %dma_wait3A_309 : memref<1x32x1024xf32, #tpu.memory_space<hbm>> -> memref<32x1024xf32, #tpu.memory_space<hbm>>
        %dma_wait3A_311 = arith.constant 0 : i32
        %dma_wait3A_312 = tpu.memref_slice %arg4[%select_n3A, %multiple_of3A, %dma_wait3A_311] : memref<4x4096x1024xf32, #tpu.memory_space<hbm>> -> memref<1x32x1024xf32, #tpu.memory_space<hbm>>
        %dma_wait3A_313 = tpu.memref_squeeze %dma_wait3A_312 : memref<1x32x1024xf32, #tpu.memory_space<hbm>> -> memref<32x1024xf32, #tpu.memory_space<hbm>>
        tpu.wait_dma2 semaphore(%arg12 : memref<!tpu.dma_semaphore, #tpu.memory_space<semaphore_mem>>) src(%arg8 : memref<32x1024xf32, #tpu.memory_space<vmem>>) dst(%dma_wait3A_313 : memref<32x1024xf32, #tpu.memory_space<hbm>>)
      }
      %scan3A_265 = arith.constant 16 : i32
    } else {
    }
    return
  }
}

</mosaic_0001>

<sc_bundles>
// kernel: kernel.3.cloned.1.call-start
scs
__scs_entry_jumppad:
0x0: {  	(pc) =	sbr.rel $0x88, $3  }
0x1: {  	(tag) =	ssettag $0x0;
	lr =	simm.s32 $0x1  }
0x2: {  	[smem:$0x3F9F] =	sst lr;
	_ =	strace $0xD0000000  }
0x3: {  	_ = 	snop  }
0x4: {  	_ = 	snop  }
0x5: {  	_ = 	snop  }
0x6: {  	_ = 	snop  }
0x7: {  	_ = 	snop  }
__scs_overlays_trampoline_lowered:
0x8: {  	[smem:$0x3FAE] =	sst s0  }
0x9: {  	[smem:$0x3FAF] =	sst s1  }
0xa: {  	[smem:$0x3FB0] =	sst s2  }
0xb: {  	[smem:$0x3FB1] =	sst s3  }
0xc: {  	[smem:$0x3FB2] =	sst s4  }
0xd: {  	[smem:$0x3FB3] =	sst s5  }
0xe: {  	[smem:$0x3FB4] =	sst s6  }
0xf: {  	[smem:$0x3FB5] =	sst s7  }
0x10: {  	[smem:$0x3FB6] =	sst s8  }
0x11: {  	[smem:$0x3FB7] =	sst s9;
	s0 =	simm.s32 @!p0 $0x0  }
0x12: {  	s1 =	sld [smem:$0x3F9D];
	s0 =	simm.s32 @p0 $0x1  }
0x13: {  	[smem:$0x3FB8] =	sst s0;
	s0 =	simm.s32 @!p1 $0x0  }
0x14: {  	s2 =	sld [smem:$0x3F9C];
	s0 =	simm.s32 @p1 $0x1  }
0x15: {  	[smem:$0x3FB9] =	sst s0;
	s0 =	simm.s32 @!p2 $0x0  }
0x16: {  	s3 =	sld [smem:$0x3FDB];
	s0 =	simm.s32 @p2 $0x1  }
0x17: {  	s4 =	simm.s32 $0x1BF5;
	[smem:$0x3FBB] =	sst s0  }
0x18: {  	s0 =	sld [smem:$0x3F9E];
	_ =	swait.ge [sflag:s4], $0x0  }
0x19: {  	s7 =	sld [smem:$0x3F9F]  }
0x1a: {  	s8 =	sadd.s32 $0xFFFFE003, lr  }
0x1b: {  	s9 =	sadd.s32 $0xFFFFFEF7, lr;
	s5 =	simm.s32 $0xFFFFFFFF;
	p2 =	slt.u32 s8, $0xFFFFF086  }
0x1c: {  	p1 =	slt.u32 s9, $0xF7A;
	s5 =	simm.s32 @!p2 $0x0  }
0x1d: {  	s5 =	simm.s32 @p1 $0x1;
	p0 =	seq.s32 s7, s2  }
0x1e: {  	s7 =	smul.u32 @!p0 $0xF7A, s2;
	p2 =	seq.s32 @!p0 s5, $0x0  }
0x1f: {  	s9 =	smul.u32 $0xF7A, s1;
	s8 =	simm.s32 @!p0 $0x1BF5;
	p2 =	por !p2, p0  }
0x20: {  	[sflag:s8] =	ssyncset.s32 @!p0 $0xFFFFF086;
	s6 =	sadd.s32 @!p0 s3, s7;
	s7 =	simm.s32 @!p0 $0x108  }
0x21: {  	s3 =	sadd.s32 s3, s9;
	s6 =	sadd.s32 @!p0 $0x88, s6;
	s7 =	simm.s32 @p2 $0x1082  }
0x22: {  	[simem:s7], [sflag:s8] =	dma.local @!p0 [hbm:s6], $0xF7A  }
0x23: {  	s9 =	sor.u32 $0xD0000000, s2;
	s6 =	simm.s32 $0x108;
	_ =	swait.ge @!p0 [sflag:s8], $0x0  }
0x24: {  	s3 =	sadd.s32 $0x88, s3;
	s6 =	simm.s32 @!p1 $0x1082;
	[sflag:s4] =	ssyncset.s32 $0xFFFFF086  }
0x25: {  	[simem:s6], [sflag:s4] =	dma.local [hbm:s3], $0xF7A  }
0x26: {  	[smem:$0x3F9F] =	sst s1;
	(tag) =	ssettag s2;
	_ =	strace s9  }
0x27: {  	s1 =	sld [smem:$0x3FAF]  }
0x28: {  	s2 =	sld [smem:$0x3FB0]  }
0x29: {  	s4 =	sld [smem:$0x3FB2]  }
0x2a: {  	p0 =	seq.s32 s5, $0x0;
	s5 =	sld [smem:$0x3FB3]  }
0x2b: {  	s6 =	sld [smem:$0x3FB4]  }
0x2c: {  	s7 =	sld [smem:$0x3FB5]  }
0x2d: {  	s3 =	simm.s32 $0x108;
	s8 =	sld [smem:$0x3FB6]  }
0x2e: {  	s3 =	simm.s32 @!p0 $0x1082;
	s9 =	sld [smem:$0x3FB7]  }
0x2f: {  	lr =	sadd.s32 s0, s3;
	s0 =	sld [smem:$0x3FAE]  }
0x30: {  	s3 =	sld [smem:$0x3FB1]  }
0x31: {  	[smem:$0x3FBA] =	sst s10  }
0x32: {  	s10 =	sld [smem:$0x3FB8];
	_ =	sdelay $0x3  }
0x33: {  	p0 =	seq.s32 s10, $0x1;
	s10 =	sld [smem:$0x3FBA];
	_ =	sdelay $0x3  }
0x34: {  	[smem:$0x3FBA] =	sst s10  }
0x35: {  	s10 =	sld [smem:$0x3FB9];
	_ =	sdelay $0x3  }
0x36: {  	p1 =	seq.s32 s10, $0x1;
	s10 =	sld [smem:$0x3FBA];
	_ =	sdelay $0x3  }
0x37: {  	[smem:$0x3FBA] =	sst s10  }
0x38: {  	s10 =	sld [smem:$0x3FBB]  }
0x39: {  	_ = 	snop;
	(pc) =	sbr.ind lr, $3  }
0x3a: {  	_ = 	snop  }
0x3b: {  	_ = 	snop  }
0x3c: {  	p2 =	seq.s32 s10, $0x1;
	s10 =	sld [smem:$0x3FBA]  }
0x3d: {  	_ =	shalt  }
0x3e: {  	_ =	shalt  }
0x3f: {  	_ =	shalt  }
0x40: {  	_ =	shalt  }
0x41: {  	_ =	shalt  }
0x42: {  	_ =	shalt  }
0x43: {  	_ =	shalt  }
0x44: {  	_ =	shalt  }
0x45: {  	_ =	shalt  }
0x46: {  	_ =	shalt  }
0x47: {  	_ =	shalt  }
0x48: {  	_ =	shalt  }
0x49: {  	_ =	shalt  }
0x4a: {  	_ =	shalt  }
0x4b: {  	_ =	shalt  }
0x4c: {  	_ =	shalt  }
0x4d: {  	_ =	shalt  }
0x4e: {  	_ =	shalt  }
0x4f: {  	_ =	shalt  }
0x50: {  	_ =	shalt  }
0x51: {  	_ =	shalt  }
0x52: {  	_ =	shalt  }
0x53: {  	_ =	shalt  }
0x54: {  	_ =	shalt  }
0x55: {  	_ =	shalt  }
0x56: {  	_ =	shalt  }
0x57: {  	_ =	shalt  }
0x58: {  	_ =	shalt  }
0x59: {  	_ =	shalt  }
0x5a: {  	_ =	shalt  }
0x5b: {  	_ =	shalt  }
0x5c: {  	_ =	shalt  }
0x5d: {  	_ =	shalt  }
0x5e: {  	_ =	shalt  }
0x5f: {  	_ =	shalt  }
0x60: {  	_ =	shalt  }
0x61: {  	_ =	shalt  }
0x62: {  	_ =	shalt  }
0x63: {  	_ =	shalt  }
0x64: {  	_ =	shalt  }
0x65: {  	_ =	shalt  }
0x66: {  	_ =	shalt  }
0x67: {  	_ =	shalt  }
0x68: {  	_ =	shalt  }
0x69: {  	_ =	shalt  }
0x6a: {  	_ =	shalt  }
0x6b: {  	_ =	shalt  }
0x6c: {  	_ =	shalt  }
0x6d: {  	_ =	shalt  }
0x6e: {  	_ =	shalt  }
0x6f: {  	_ =	shalt  }
0x70: {  	_ =	shalt  }
0x71: {  	_ =	shalt  }
0x72: {  	_ =	shalt  }
0x73: {  	_ =	shalt  }
0x74: {  	_ =	shalt  }
0x75: {  	_ =	shalt  }
0x76: {  	_ =	shalt  }
0x77: {  	_ =	shalt  }
0x78: {  	_ =	shalt  }
0x79: {  	_ =	shalt  }
0x7a: {  	_ =	shalt  }
0x7b: {  	_ =	shalt  }
0x7c: {  	_ =	shalt  }
0x7d: {  	_ =	shalt  }
0x7e: {  	_ =	shalt  }
0x7f: {  	_ =	shalt  }
0x80: {  	_ =	shalt  }
0x81: {  	_ =	shalt  }
0x82: {  	_ =	shalt  }
0x83: {  	_ =	shalt  }
0x84: {  	_ =	shalt  }
0x85: {  	_ =	shalt  }
0x86: {  	_ =	shalt  }
0x87: {  	_ =	shalt  }
.Lfunc_end0:
.L_simem_size_0:
called_computation_lowered:
.L_overlay_start_0:
0x88: {  	s2 =	sld [smem:$0x3FD9]  }
0x89: {  	s3 =	sld [smem:$0x3FFE];
	_ =	sdelay $0x1  }
0x8a: {  	s1 =	srdreg.scid  }
0x8b: {  	s0 =	sand.u32 $0x1, s1  }
0x8c: {  	s18 =	sshll.u32 s0, $0xA;
	s2 =	sadd.s32 s3, s2  }
0x8d: {  	s2 =	sadd.s32 s2, s18  }
0x8e: {  	[smem:$0x3FC6] =	sst s2  }
0x8f: {  	_ = 	snop  }
0x90: {  	s2 =	sld [smem:$0x3FC9]  }
0x91: {  	s19 =	sld [smem:$0x3FC8]  }
0x92: {  	s4 =	sld [smem:$0x3FD0];
	(tm) =	ssettm $0x1  }
0x93: {  	s5 =	sld [smem:$0x3FFB];
	_ =	sdelay $0x3  }
0x94: {  	_ =	strace s5  }
0x95: {  	s5 =	sld [smem:$0x3FFC];
	_ =	sdelay $0x3  }
0x96: {  	_ =	strace s5  }
0x97: {  	s5 =	sld [smem:$0x3FFD];
	_ =	sdelay $0x3  }
0x98: {  	_ =	strace s5  }
0x99: {  	_ =	strace $0x8FFFFFFF  }
0x9a: {  	s20 =	sld [smem:$0x3FDB];
	_ =	sdelay $0x1  }
0x9b: {  	s6 =	simm.s32 $_scs_section_size  }
0x9c: {  	s7 =	simm.s32 $_size__tile_overlayer_lowered;
	s8 =	simm.s32 $_tile_overlayer_lowered  }
0x9d: {  	s23 =	simm.s32 $0x1BFF;
	s22 =	sshll.u32 s8, $0x1;
	s5 =	sadd.s32 s6, s20  }
0x9e: {  	s9 =	simm.s32 $0x0;
	s21 =	sshll.u32 s7, $0x1;
	s7 =	sadd.s32 s22, s5  }
0x9f: {  	[timem:s9], [sflag:s23] =	dma.local [hbm:s7], s21  }
0xa0: {  	_ =	swait.ge [sflag:s23], s21  }
0xa1: {  	s6 =	ssub.s32 $0x0, s21;
	[sflag:s23] =	ssyncset.done $0x0  }
0xa2: {  	[sflag:s23] =	ssyncadd.s32 s6;
	_ =	sdelay $0x1  }
0xa3: {  	s24 =	simm.s32 $0x1B8B  }
0xa4: {  	_ =	swait.ge [sflag:s24], $0x1  }
0xa5: {  	[sflag:s24] =	ssyncset.done $0x0  }
0xa6: {  	s25 =	simm.s32 $0x1B8E;
	[sflag:s24] =	ssyncadd.s32 $0xFFFFFFFF  }
0xa7: {  	s26 =	simm.s32 $execute0_lowered;
	[smem:$0x3FD2] =	sst s25  }
0xa8: {  	s6 =	sshll.u32 s26, $0x1;
	_ =	strace $0x80000046;
	[dreg:$0x1] =	wrdreg $0xFFFFFFFF  }
0xa9: {  	s28 =	simm.s32 $_size_execute0_lowered;
	s5 =	sadd.s32 s5, s6;
	[dreg:$0x0] =	wrdreg $0x0  }
0xaa: {  	s6 =	sshll.u32 s28, $0x1;
	[dreg:$0x2] =	wrdreg s5  }
0xab: {  	[dreg:$0x3] =	wrdreg s6  }
0xac: {  	[dreg:$0x4] =	wrdreg $0xC0  }
0xad: {  	_ =	task [dreg:s9], $0x5FFFF  }
0xae: {  	[dreg:$0x1] =	wrdreg $0xFFFFFFFF  }
0xaf: {  	[dreg:$0x0] =	wrdreg $0x60  }
0xb0: {  	[dreg:$0x2] =	wrdreg s2  }
0xb1: {  	[dreg:$0x3] =	wrdreg s19  }
0xb2: {  	[dreg:$0x4] =	wrdreg s4  }
0xb3: {  	[dreg:$0x5] =	wrdreg $0x9  }
0xb4: {  	_ =	task.clear_ibuf [dreg:s9], $0x6FFFF;
	_ =	strace $0x90000046  }
0xb5: {  	s29 =	simm.s32 $0x9;
	_ =	strace $0x80000048  }
0xb6: {  	_ =	swait.ge [sflag:s29], $0x1  }
0xb7: {  	[sflag:s29] =	ssyncadd.s32 $0xFFFFFFFF  }
0xb8: {  	_ =	strace $0x90000048  }
0xb9: {  	_ =	sfence  }
0xba: {  	s30 =	sld [smem:$0x0];
	_ =	sdelay $0x2  }
0xbb: {  	s31 =	sshll.u32 s1, $0xD;
	s1 =	sshrl.u32 s1, $0x2  }
0xbc: {  	s3 =	sand.u32 $0x4000, s31;
	s1 =	sadd.s32 s1, s30  }
0xbd: {  	s0 =	sor.u32 s3, s0;
	s1 =	sshll.u32 s1, $0x11  }
0xbe: {  	s0 =	sor.u32 s1, s0  }
0xbf: {  	s0 =	sadd.s32 $0x8F2B, s0  }
0xc0: {  	[sflag:s0] =	ssyncadd.remote.s32 $0x1  }
0xc1: {  	_ =	sfence.sel $0xFFFF  }
0xc2: {  	[dreg:$0x0] =	wrdreg $0xFFFFFFFF;
	(pc) =	sbr.abs _section_cstart, $3  }
0xc3: {  	[dreg:$0x1] =	wrdreg $0xFFFFFFFF  }
0xc4: {  	_ =	task.clear_ibuf [dreg:s9], $0x2FFFF;
	_ =	strace $0x9FFFFFFF  }
0xc5: {  	(tm) =	ssettm $0x7FFFFFFF  }
tec
execute0_lowered:
.L_overlay_start_1:
0x0: {  	(tag) =	ssettag $0x1  }
0x1: {  	s0 =	rddreg [dreg:$0x0]  }
0x2: {  	s1 =	rddreg [dreg:$0x1]  }
0x3: {  	s16 =	rddreg [dreg:$0x2]  }
0x4: {  	s4 =	simm.s32 $0x0;
	s3 =	srdreg.scid;
	s2 =	stileid.u32  }
0x5: {  	s28 =	simm.s32 $0x300;
	s29 =	simm.s32 $0x8300;
	s3 =	sand.u32 $0x1, s3  }
0x6: {  	[smem:$0x7FF] =	sst s4;
	s5 =	sshll.u32 s2, $0x8;
	s6 =	ssub.s32 $0x2, s3  }
0x7: {  	s8 =	sadd.s32 $0x300, s1;
	s3 =	sshll.u32 s3, $0x7;
	s7 =	sshrl.u32 s6, $0x1  }
0x8: {  	_ =	strace $0x80000047;
	s5 =	sor.u32 s3, s5;
	s3 =	ssub.s32 s6, s7  }
0x9: {  	s9 =	sor.u32 $0x2, s5;
	s10 =	sor.u32 $0x12, s5;
	s6 =	sadd.s32 $0x100, s1  }
0xa: {  	s7 =	sadd.s32 $0x200, s1;
	s14 =	sshrl.u32 s5, $0x1;
	s15 =	sshll.u32 s5, $0xA  }
0xb: {  	s13 =	sshll.u32 s5, $0x7;
	s0 =	sadd.s32 s0, s14;
	[dreg:$0x4] =	wrdreg s15  }
0xc: {  	s11 =	sor.u32 $0x22, s5;
	s2 =	sadd.s32 s16, s13;
	[dreg:$0x6] =	wrdreg s0  }
0xd: {  	s12 =	sor.u32 $0x32, s5;
	s25 =	sadd.s32 $0x80000, s2;
	[dreg:$0x5] =	wrdreg s2  }
0xe: {  	s17 =	sor.u32 $0x52, s5;
	s26 =	sadd.s32 $0x100000, s2;
	[dreg:$0x7] =	wrdreg s25  }
0xf: {  	s22 =	sor.u32 $0x62, s5;
	s30 =	sadd.s32 $0x180000, s2;
	[dreg:$0x8] =	wrdreg s26  }
0x10: {  	v0 =	vlaneseq.u32;
	vm0 =	vmmov $0xffff;
	s23 =	sor.u32 $0x72, s5;
	s31 =	sadd.s32 $0x1000, s2;
	[dreg:$0x9] =	wrdreg s30  }
0x11: {  	v10 =	vor.u32 $0x8, v0;
	s16 =	sor.u32 $0x42, s5;
	v1 =	vadd.s32 s9, v0;
	v2 =	vadd.s32 s10, v0;
	s13 =	sadd.s32 $0x81000, s2;
	[dreg:$0xa] =	wrdreg s31  }
0x12: {  	v3 =	vadd.s32 s11, v0;
	v4 =	vadd.s32 s12, v0;
	s9 =	simm.s32 $0xB00;
	s14 =	sadd.s32 $0x101000, s2;
	v8 =	vshll.u32 v1, $0x3;
	[dreg:$0xb] =	wrdreg s13  }
0x13: {  	v7 =	vadd.s32 s22, v0;
	s22 =	simm.s32 $0x5300;
	s15 =	sadd.s32 $0x181000, s2;
	v9 =	vand.u32 $0x7, v1;
	[dreg:$0xc] =	wrdreg s14;
	v8 =	vand.u32 $0x7FFFFFC0, v8  }
0x14: {  	s10 =	simm.s32 $0x7300;
	s18 =	sadd.s32 $0x2000, s2;
	[dreg:$0xd] =	wrdreg s15;
	v12 =	vor.u32 v9, v8;
	v8 =	vand.u32 $0x7, v0;
	v9 =	vshrl.u32 v0, $0x3  }
0x15: {  	v6 =	vadd.s32 s17, v0;
	s11 =	simm.s32 $0x7B00;
	s19 =	sadd.s32 $0x82000, s2;
	[dreg:$0xe] =	wrdreg s18;
	v13 =	vperm.xlane v12, v8;
	v9 =	vmul.u32 $0x8, v9  }
0x16: {  	s12 =	simm.s32 $0x0;
	s20 =	sadd.s32 $0x102000, s2;
	v5 =	vadd.s32 s16, v0;
	v15 =	vshll.u32 v3, $0x3;
	[dreg:$0xf] =	wrdreg s19;
	v14 =	vperm.xlane v12, v10  }
0x17: {  	s21 =	sadd.s32 $0x182000, s2;
	s24 =	sadd.s32 $0x3000, s2;
	v16 =	vand.u32 $0x7, v3;
	[dreg:$0x10] =	wrdreg s20;
	v15 =	vand.u32 $0x7FFFFFC0, v15;
	v12 =	vadd.s32 v9, v13  }
0x18: {  	s0 =	simm.s32 $0x2300;
	s16 =	simm.s32 $0x3;
	[dreg:$0x11] =	wrdreg s21;
	v13 =	vadd.s32 v9, v14;
	v14 =	vor.u32 v16, v15;
	v15 =	vshll.u32 v5, $0x3  }
0x19: {  	v17 =	vshll.u32 v7, $0x3;
	[dreg:$0x12] =	wrdreg s24;
	s25 =	smax.u32 s3, $0x1;
	s26 =	sadd.s32 $0x83000, s2;
	v16 =	vand.u32 $0x7, v5;
	v15 =	vand.u32 $0x7FFFFFC0, v15  }
0x1a: {  	s30 =	sadd.s32 $0x103000, s2;
	s31 =	sadd.s32 $0x183000, s2;
	s14 =	simm.s32 $0x1300;
	v17 =	vand.u32 $0x7FFFFFC0, v17;
	v15 =	vor.u32 v16, v15;
	v16 =	vand.u32 $0x7, v7  }
.Ltmp0:
0x1b: {  	s15 =	simm.s32 $0x1B00;
	s3 =	simm.s32 $0x2B00;
	v18 =	vperm.xlane v14, v10;
	v16 =	vor.u32 v16, v17;
	v17 =	vperm.xlane v14, v8;
	(pc) =	sbr.rel .LBB2_1-.Ltmp0, $4  }
0x1c: {  	v11 =	vadd.s32 s23, v0;
	s18 =	simm.s32 $0x3300;
	s19 =	simm.s32 $0x3B00;
	[dreg:$0x13] =	wrdreg s25;
	v19 =	vperm.xlane v15, v8;
	v20 =	vperm.xlane v15, v10  }
0x1d: {  	s20 =	simm.s32 $0x4300;
	s21 =	simm.s32 $0x4B00;
	[dreg:$0x14] =	wrdreg s26;
	v15 =	vadd.s32 v9, v18;
	v21 =	vperm.xlane v16, v8;
	v22 =	vperm.xlane v16, v10  }
0x1e: {  	s24 =	simm.s32 $0x5B00;
	s13 =	simm.s32 $0x1;
	[dreg:$0x15] =	wrdreg s30;
	v16 =	vimm.s32 $0x0;
	v14 =	vadd.s32 v9, v17;
	v17 =	vadd.s32 v9, v19  }
0x1f: {  	[dreg:$0x16] =	wrdreg s31;
	s25 =	simm.s32 $0x6300;
	s26 =	simm.s32 $0x6B00;
	v18 =	vadd.s32 v9, v20;
	v19 =	vadd.s32 v9, v21;
	v20 =	vadd.s32 v9, v22  }
.LBB2_4:
0x20: {  	_ =	sdelay $0x1  }
0x21: {  	[tilespmem:$0x200] =	vst v5  }
0x22: {  	[tilespmem:$0x210] =	vst v6  }
0x23: {  	[tilespmem:s28], [sflag:$0x1] =	stream.indirect_vreg.gather [hbm4b:s1+s4], $0x80, v17, vm0, $0xb8;
	[tilespmem:$0x10300] =	vst v63  }
0x24: {  	s9 =	simm.s32 $0xB00  }
0x25: {  	[tilespmem:s9], [sflag:$0x1] =	stream.indirect_vreg.gather [hbm4b:s6+s4], $0x80, v17, vm0, $0xb8;
	[tilespmem:$0x10300] =	vst v63  }
0x26: {  	s14 =	simm.s32 $0x1300  }
0x27: {  	[tilespmem:s14], [sflag:$0x1] =	stream.indirect_vreg.gather [hbm4b:s7+s4], $0x80, v17, vm0, $0xb8;
	[tilespmem:$0x10300] =	vst v63  }
0x28: {  	s15 =	simm.s32 $0x1B00  }
0x29: {  	[tilespmem:s15], [sflag:$0x1] =	stream.indirect_vreg.gather [hbm4b:s8+s4], $0x80, v17, vm0, $0xb8;
	[tilespmem:$0x10300] =	vst v63  }
0x2a: {  	_ = 	snop  }
0x2b: {  	[tilespmem:s0], [sflag:$0x1] =	stream.indirect_vreg.gather [hbm4b:s1+s4], $0x80, v18, vm0, $0xb8;
	[tilespmem:$0x10300] =	vst v63  }
0x2c: {  	_ = 	snop  }
0x2d: {  	[tilespmem:s3], [sflag:$0x1] =	stream.indirect_vreg.gather [hbm4b:s6+s4], $0x80, v18, vm0, $0xb8;
	[tilespmem:$0x10300] =	vst v63  }
0x2e: {  	_ = 	snop  }
0x2f: {  	[tilespmem:s18], [sflag:$0x1] =	stream.indirect_vreg.gather [hbm4b:s7+s4], $0x80, v18, vm0, $0xb8;
	[tilespmem:$0x10300] =	vst v63  }
0x30: {  	_ = 	snop  }
0x31: {  	[tilespmem:s19], [sflag:$0x1] =	stream.indirect_vreg.gather [hbm4b:s8+s4], $0x80, v18, vm0, $0xb8;
	[tilespmem:$0x10300] =	vst v63  }
0x32: {  	v21 =	vld [tilespmem:$0x210];
	_ =	sdelay $0x4  }
0x33: {  	v22 =	vshll.u32 v21, $0x3  }
0x34: {  	v21 =	vand.u32 $0x7, v21;
	v22 =	vand.u32 $0xFFFFFFC0, v22  }
0x35: {  	v21 =	vor.u32 v21, v22  }
0x36: {  	v22 =	vperm.xlane v21, v8;
	_ =	sdelay $0x1  }
0x37: {  	v22 =	vadd.s32 v9, v22;
	_ =	sdelay $0x4  }
0x38: {  	[tilespmem:s20], [sflag:$0x1] =	stream.indirect_vreg.gather [hbm4b:s1+s4], $0x80, v22, vm0, $0xb8;
	[tilespmem:$0x10300] =	vst v63  }
0x39: {  	v21 =	vperm.xlane v21, v10  }
0x3a: {  	[tilespmem:s21], [sflag:$0x1] =	stream.indirect_vreg.gather [hbm4b:s6+s4], $0x80, v22, vm0, $0xb8;
	[tilespmem:$0x10300] =	vst v63  }
0x3b: {  	v21 =	vadd.s32 v9, v21  }
0x3c: {  	[tilespmem:s22], [sflag:$0x1] =	stream.indirect_vreg.gather [hbm4b:s7+s4], $0x80, v22, vm0, $0xb8;
	[tilespmem:$0x10300] =	vst v63  }
0x3d: {  	_ = 	snop  }
0x3e: {  	[tilespmem:s24], [sflag:$0x1] =	stream.indirect_vreg.gather [hbm4b:s8+s4], $0x80, v22, vm0, $0xb8;
	[tilespmem:$0x10300] =	vst v63  }
0x3f: {  	_ = 	snop  }
0x40: {  	[tilespmem:s25], [sflag:$0x1] =	stream.indirect_vreg.gather [hbm4b:s1+s4], $0x80, v21, vm0, $0xb8;
	[tilespmem:$0x10300] =	vst v63  }
0x41: {  	_ = 	snop  }
0x42: {  	[tilespmem:s26], [sflag:$0x1] =	stream.indirect_vreg.gather [hbm4b:s6+s4], $0x80, v21, vm0, $0xb8;
	[tilespmem:$0x10300] =	vst v63  }
0x43: {  	_ = 	snop  }
0x44: {  	[tilespmem:s10], [sflag:$0x1] =	stream.indirect_vreg.gather [hbm4b:s7+s4], $0x80, v21, vm0, $0xb8;
	[tilespmem:$0x10300] =	vst v63  }
0x45: {  	_ = 	snop  }
0x46: {  	[tilespmem:s11], [sflag:$0x1] =	stream.indirect_vreg.gather [hbm4b:s8+s4], $0x80, v21, vm0, $0xb8;
	[tilespmem:$0x10300] =	vst v63  }
0x47: {  	_ =	swait.ge [sflag:s13], $0x8000  }
0x48: {  	[sflag:s13] =	ssyncset.done $0x0  }
0x49: {  	s2 =	rddreg [dreg:$0xe];
	[sflag:s13] =	ssyncadd.s32 $0xFFFF8000  }
0x4a: {  	[hbm4b:s2+s4] =	stream.linear.scatter [tilespmem:s28], [sflag:$0x3], $0x8000, $0x38;
	[tilespmem:$0x10300] =	vst v63  }
0x4b: {  	s30 =	rddreg [dreg:$0xf]  }
0x4c: {  	[hbm4b:s30+s4] =	stream.linear.scatter [tilespmem:s28], [sflag:$0x3], $0x8000, $0x38;
	[tilespmem:$0x10300] =	vst v63  }
0x4d: {  	s31 =	rddreg [dreg:$0x10]  }
0x4e: {  	[hbm4b:s31+s4] =	stream.linear.scatter [tilespmem:s28], [sflag:$0x3], $0x8000, $0x38;
	[tilespmem:$0x10300] =	vst v63  }
0x4f: {  	s12 =	rddreg [dreg:$0x11]  }
0x50: {  	[hbm4b:s12+s4] =	stream.linear.scatter [tilespmem:s28], [sflag:$0x3], $0x8000, $0x38;
	[tilespmem:$0x10300] =	vst v63  }
0x51: {  	s12 =	simm.s32 $0x4  }
0x52: {  	_ =	swait.ge [sflag:s12], $0x8000  }
0x53: {  	[sflag:s12] =	ssyncset.done $0x0  }
0x54: {  	[sflag:s12] =	ssyncadd.s32 $0xFFFF8000  }
0x55: {  	_ =	swait.ge [sflag:s12], $0x8000  }
0x56: {  	[sflag:s12] =	ssyncset.done $0x0  }
0x57: {  	[sflag:s12] =	ssyncadd.s32 $0xFFFF8000  }
0x58: {  	_ =	swait.ge [sflag:s12], $0x8000  }
0x59: {  	[sflag:s12] =	ssyncset.done $0x0  }
0x5a: {  	[sflag:s12] =	ssyncadd.s32 $0xFFFF8000  }
0x5b: {  	_ =	swait.ge [sflag:s12], $0x8000  }
0x5c: {  	[sflag:s12] =	ssyncset.done $0x0  }
0x5d: {  	[sflag:s12] =	ssyncadd.s32 $0xFFFF8000  }
0x5e: {  	[tilespmem:$0x280] =	vst v7  }
0x5f: {  	[tilespmem:$0x290] =	vst v11  }
0x60: {  	[tilespmem:s29], [sflag:$0x2] =	stream.indirect_vreg.gather [hbm4b:s1+s4], $0x80, v19, vm0, $0xb8;
	[tilespmem:$0x10300] =	vst v63  }
0x61: {  	s17 =	simm.s32 $0x8B00  }
0x62: {  	[tilespmem:s17], [sflag:$0x2] =	stream.indirect_vreg.gather [hbm4b:s6+s4], $0x80, v19, vm0, $0xb8;
	[tilespmem:$0x10300] =	vst v63  }
0x63: {  	s23 =	simm.s32 $0x9300  }
0x64: {  	[tilespmem:s23], [sflag:$0x2] =	stream.indirect_vreg.gather [hbm4b:s7+s4], $0x80, v19, vm0, $0xb8;
	[tilespmem:$0x10300] =	vst v63  }
0x65: {  	s30 =	simm.s32 $0x9B00  }
0x66: {  	[tilespmem:s30], [sflag:$0x2] =	stream.indirect_vreg.gather [hbm4b:s8+s4], $0x80, v19, vm0, $0xb8;
	[tilespmem:$0x10300] =	vst v63  }
0x67: {  	s31 =	simm.s32 $0xA300  }
0x68: {  	[tilespmem:s31], [sflag:$0x2] =	stream.indirect_vreg.gather [hbm4b:s1+s4], $0x80, v20, vm0, $0xb8;
	[tilespmem:$0x10300] =	vst v63  }
0x69: {  	s17 =	simm.s32 $0xAB00  }
0x6a: {  	[tilespmem:s17], [sflag:$0x2] =	stream.indirect_vreg.gather [hbm4b:s6+s4], $0x80, v20, vm0, $0xb8;
	[tilespmem:$0x10300] =	vst v63  }
0x6b: {  	s23 =	simm.s32 $0xB300  }
0x6c: {  	[tilespmem:s23], [sflag:$0x2] =	stream.indirect_vreg.gather [hbm4b:s7+s4], $0x80, v20, vm0, $0xb8;
	[tilespmem:$0x10300] =	vst v63  }
0x6d: {  	s30 =	simm.s32 $0xBB00  }
0x6e: {  	[tilespmem:s30], [sflag:$0x2] =	stream.indirect_vreg.gather [hbm4b:s8+s4], $0x80, v20, vm0, $0xb8;
	[tilespmem:$0x10300] =	vst v63  }
0x6f: {  	v21 =	vld [tilespmem:$0x290];
	_ =	sdelay $0x4  }
0x70: {  	v22 =	vshll.u32 v21, $0x3  }
0x71: {  	v21 =	vand.u32 $0x7, v21;
	v22 =	vand.u32 $0xFFFFFFC0, v22  }
0x72: {  	v21 =	vor.u32 v21, v22  }
0x73: {  	v22 =	vperm.xlane v21, v8;
	_ =	sdelay $0x1  }
0x74: {  	v22 =	vadd.s32 v9, v22;
	_ =	sdelay $0x3  }
0x75: {  	s31 =	simm.s32 $0xC300  }
0x76: {  	[tilespmem:s31], [sflag:$0x2] =	stream.indirect_vreg.gather [hbm4b:s1+s4], $0x80, v22, vm0, $0xb8;
	[tilespmem:$0x10300] =	vst v63  }
0x77: {  	s17 =	simm.s32 $0xCB00;
	v21 =	vperm.xlane v21, v10  }
0x78: {  	[tilespmem:s17], [sflag:$0x2] =	stream.indirect_vreg.gather [hbm4b:s6+s4], $0x80, v22, vm0, $0xb8;
	[tilespmem:$0x10300] =	vst v63  }
0x79: {  	s23 =	simm.s32 $0xD300;
	v21 =	vadd.s32 v9, v21  }
0x7a: {  	[tilespmem:s23], [sflag:$0x2] =	stream.indirect_vreg.gather [hbm4b:s7+s4], $0x80, v22, vm0, $0xb8;
	[tilespmem:$0x10300] =	vst v63  }
0x7b: {  	s30 =	simm.s32 $0xDB00  }
0x7c: {  	[tilespmem:s30], [sflag:$0x2] =	stream.indirect_vreg.gather [hbm4b:s8+s4], $0x80, v22, vm0, $0xb8;
	[tilespmem:$0x10300] =	vst v63  }
0x7d: {  	s31 =	simm.s32 $0xE300  }
0x7e: {  	[tilespmem:s31], [sflag:$0x2] =	stream.indirect_vreg.gather [hbm4b:s1+s4], $0x80, v21, vm0, $0xb8;
	[tilespmem:$0x10300] =	vst v63  }
0x7f: {  	s17 =	simm.s32 $0xEB00  }
0x80: {  	[tilespmem:s17], [sflag:$0x2] =	stream.indirect_vreg.gather [hbm4b:s6+s4], $0x80, v21, vm0, $0xb8;
	[tilespmem:$0x10300] =	vst v63  }
0x81: {  	s23 =	simm.s32 $0xF300  }
0x82: {  	[tilespmem:s23], [sflag:$0x2] =	stream.indirect_vreg.gather [hbm4b:s7+s4], $0x80, v21, vm0, $0xb8;
	[tilespmem:$0x10300] =	vst v63  }
0x83: {  	s30 =	simm.s32 $0xFB00;
	s31 =	simm.s32 $0x2  }
0x84: {  	[tilespmem:s30], [sflag:$0x2] =	stream.indirect_vreg.gather [hbm4b:s8+s4], $0x80, v21, vm0, $0xb8;
	[tilespmem:$0x10300] =	vst v63  }
0x85: {  	_ =	swait.ge [sflag:s31], $0x8000  }
0x86: {  	[sflag:s31] =	ssyncset.done $0x0  }
0x87: {  	s17 =	rddreg [dreg:$0x12];
	[sflag:s31] =	ssyncadd.s32 $0xFFFF8000  }
0x88: {  	[hbm4b:s17+s4] =	stream.linear.scatter [tilespmem:s29], [sflag:$0x4], $0x8000, $0x38;
	[tilespmem:$0x10300] =	vst v63  }
0x89: {  	s23 =	rddreg [dreg:$0x14]  }
0x8a: {  	[hbm4b:s23+s4] =	stream.linear.scatter [tilespmem:s29], [sflag:$0x4], $0x8000, $0x38;
	[tilespmem:$0x10300] =	vst v63  }
0x8b: {  	s30 =	rddreg [dreg:$0x15]  }
0x8c: {  	[hbm4b:s30+s4] =	stream.linear.scatter [tilespmem:s29], [sflag:$0x4], $0x8000, $0x38;
	[tilespmem:$0x10300] =	vst v63  }
0x8d: {  	s31 =	rddreg [dreg:$0x16]  }
0x8e: {  	[hbm4b:s31+s4] =	stream.linear.scatter [tilespmem:s29], [sflag:$0x4], $0x8000, $0x38;
	[tilespmem:$0x10300] =	vst v63  }
0x8f: {  	_ =	swait.ge [sflag:s16], $0x8000  }
0x90: {  	[sflag:s16] =	ssyncset.done $0x0  }
0x91: {  	[sflag:s16] =	ssyncadd.s32 $0xFFFF8000  }
0x92: {  	_ =	swait.ge [sflag:s16], $0x8000  }
0x93: {  	[sflag:s16] =	ssyncset.done $0x0  }
0x94: {  	[sflag:s16] =	ssyncadd.s32 $0xFFFF8000  }
0x95: {  	_ =	swait.ge [sflag:s16], $0x8000  }
0x96: {  	[sflag:s16] =	ssyncset.done $0x0  }
0x97: {  	[sflag:s16] =	ssyncadd.s32 $0xFFFF8000  }
0x98: {  	_ =	swait.ge [sflag:s16], $0x8000  }
0x99: {  	[sflag:s16] =	ssyncset.done $0x0  }
0x9a: {  	[sflag:s16] =	ssyncadd.s32 $0xFFFF8000  }
0x9b: {  	_ =	swait.ge [sflag:s12], $0x8000  }
0x9c: {  	[sflag:s12] =	ssyncset.done $0x0  }
0x9d: {  	[sflag:s12] =	ssyncadd.s32 $0xFFFF8000  }
0x9e: {  	_ =	swait.ge [sflag:s12], $0x8000  }
0x9f: {  	[sflag:s12] =	ssyncset.done $0x0  }
0xa0: {  	[sflag:s12] =	ssyncadd.s32 $0xFFFF8000  }
0xa1: {  	_ =	swait.ge [sflag:s12], $0x8000  }
0xa2: {  	[sflag:s12] =	ssyncset.done $0x0  }
0xa3: {  	[sflag:s12] =	ssyncadd.s32 $0xFFFF8000  }
0xa4: {  	_ =	swait.ge [sflag:s12], $0x8000  }
0xa5: {  	[sflag:s12] =	ssyncset.done $0x0  }
0xa6: {  	[sflag:s12] =	ssyncadd.s32 $0xFFFF8000;
	s12 =	rddreg [dreg:$0x17]  }
.LBB2_8:
0xa7: {  	s12 =	sadd.s32 $0x1, s12;
	s2 =	rddreg [dreg:$0x13]  }
0xa8: {  	p0 =	sne.s32 s12, s2  }
.Ltmp1:
0xa9: {  	_ = 	snop;
	(pc) =	sbr.rel @!p0 .LBB2_9-.Ltmp1, $1  }
0xaa: {  	_ =	sdelay $0x3  }
.LBB2_1:
0xab: {  	_ =	sdelay $0x1  }
0xac: {  	[tilespmem:$0x200] =	vst v1  }
0xad: {  	[tilespmem:$0x210] =	vst v2  }
0xae: {  	[tilespmem:s28], [sflag:$0x1] =	stream.indirect_vreg.gather [hbm4b:s1+s4], $0x80, v12, vm0, $0xb8;
	[tilespmem:$0x10300] =	vst v63  }
0xaf: {  	_ = 	snop  }
0xb0: {  	[tilespmem:s9], [sflag:$0x1] =	stream.indirect_vreg.gather [hbm4b:s6+s4], $0x80, v12, vm0, $0xb8;
	[tilespmem:$0x10300] =	vst v63  }
0xb1: {  	_ = 	snop  }
0xb2: {  	[tilespmem:s14], [sflag:$0x1] =	stream.indirect_vreg.gather [hbm4b:s7+s4], $0x80, v12, vm0, $0xb8;
	[tilespmem:$0x10300] =	vst v63  }
0xb3: {  	_ = 	snop  }
0xb4: {  	[tilespmem:s15], [sflag:$0x1] =	stream.indirect_vreg.gather [hbm4b:s8+s4], $0x80, v12, vm0, $0xb8;
	[tilespmem:$0x10300] =	vst v63  }
0xb5: {  	_ = 	snop  }
0xb6: {  	[tilespmem:s0], [sflag:$0x1] =	stream.indirect_vreg.gather [hbm4b:s1+s4], $0x80, v13, vm0, $0xb8;
	[tilespmem:$0x10300] =	vst v63  }
0xb7: {  	_ = 	snop  }
0xb8: {  	[tilespmem:s3], [sflag:$0x1] =	stream.indirect_vreg.gather [hbm4b:s6+s4], $0x80, v13, vm0, $0xb8;
	[tilespmem:$0x10300] =	vst v63  }
0xb9: {  	_ = 	snop  }
0xba: {  	[tilespmem:s18], [sflag:$0x1] =	stream.indirect_vreg.gather [hbm4b:s7+s4], $0x80, v13, vm0, $0xb8;
	[tilespmem:$0x10300] =	vst v63  }
0xbb: {  	_ = 	snop  }
0xbc: {  	[tilespmem:s19], [sflag:$0x1] =	stream.indirect_vreg.gather [hbm4b:s8+s4], $0x80, v13, vm0, $0xb8;
	[tilespmem:$0x10300] =	vst v63  }
0xbd: {  	v21 =	vld [tilespmem:$0x210];
	_ =	sdelay $0x4  }
0xbe: {  	v22 =	vshll.u32 v21, $0x3  }
0xbf: {  	v21 =	vand.u32 $0x7, v21;
	v22 =	vand.u32 $0xFFFFFFC0, v22  }
0xc0: {  	v21 =	vor.u32 v21, v22  }
0xc1: {  	v22 =	vperm.xlane v21, v8;
	_ =	sdelay $0x1  }
0xc2: {  	v22 =	vadd.s32 v9, v22;
	_ =	sdelay $0x4  }
0xc3: {  	[tilespmem:s20], [sflag:$0x1] =	stream.indirect_vreg.gather [hbm4b:s1+s4], $0x80, v22, vm0, $0xb8;
	[tilespmem:$0x10300] =	vst v63  }
0xc4: {  	v21 =	vperm.xlane v21, v10  }
0xc5: {  	[tilespmem:s21], [sflag:$0x1] =	stream.indirect_vreg.gather [hbm4b:s6+s4], $0x80, v22, vm0, $0xb8;
	[tilespmem:$0x10300] =	vst v63  }
0xc6: {  	v21 =	vadd.s32 v9, v21  }
0xc7: {  	[tilespmem:s22], [sflag:$0x1] =	stream.indirect_vreg.gather [hbm4b:s7+s4], $0x80, v22, vm0, $0xb8;
	[tilespmem:$0x10300] =	vst v63  }
0xc8: {  	_ = 	snop  }
0xc9: {  	[tilespmem:s24], [sflag:$0x1] =	stream.indirect_vreg.gather [hbm4b:s8+s4], $0x80, v22, vm0, $0xb8;
	[tilespmem:$0x10300] =	vst v63  }
0xca: {  	_ = 	snop  }
0xcb: {  	[tilespmem:s25], [sflag:$0x1] =	stream.indirect_vreg.gather [hbm4b:s1+s4], $0x80, v21, vm0, $0xb8;
	[tilespmem:$0x10300] =	vst v63  }
0xcc: {  	_ = 	snop  }
0xcd: {  	[tilespmem:s26], [sflag:$0x1] =	stream.indirect_vreg.gather [hbm4b:s6+s4], $0x80, v21, vm0, $0xb8;
	[tilespmem:$0x10300] =	vst v63  }
0xce: {  	_ = 	snop  }
0xcf: {  	[tilespmem:s10], [sflag:$0x1] =	stream.indirect_vreg.gather [hbm4b:s7+s4], $0x80, v21, vm0, $0xb8;
	[tilespmem:$0x10300] =	vst v63  }
0xd0: {  	_ = 	snop  }
0xd1: {  	[tilespmem:s11], [sflag:$0x1] =	stream.indirect_vreg.gather [hbm4b:s8+s4], $0x80, v21, vm0, $0xb8;
	[tilespmem:$0x10300] =	vst v63  }
0xd2: {  	[tilespmem:$0x280] =	vst v3  }
0xd3: {  	[tilespmem:$0x290] =	vst v4  }
0xd4: {  	[tilespmem:s29], [sflag:$0x2] =	stream.indirect_vreg.gather [hbm4b:s1+s4], $0x80, v14, vm0, $0xb8;
	[tilespmem:$0x10300] =	vst v63  }
0xd5: {  	s2 =	simm.s32 $0x8B00  }
0xd6: {  	[tilespmem:s2], [sflag:$0x2] =	stream.indirect_vreg.gather [hbm4b:s6+s4], $0x80, v14, vm0, $0xb8;
	[tilespmem:$0x10300] =	vst v63  }
0xd7: {  	s31 =	simm.s32 $0x9300  }
0xd8: {  	[tilespmem:s31], [sflag:$0x2] =	stream.indirect_vreg.gather [hbm4b:s7+s4], $0x80, v14, vm0, $0xb8;
	[tilespmem:$0x10300] =	vst v63  }
0xd9: {  	s9 =	simm.s32 $0x9B00  }
0xda: {  	[tilespmem:s9], [sflag:$0x2] =	stream.indirect_vreg.gather [hbm4b:s8+s4], $0x80, v14, vm0, $0xb8;
	[tilespmem:$0x10300] =	vst v63  }
0xdb: {  	[dreg:$0x17] =	wrdreg s12;
	s12 =	simm.s32 $0xA300  }
0xdc: {  	[tilespmem:s12], [sflag:$0x2] =	stream.indirect_vreg.gather [hbm4b:s1+s4], $0x80, v15, vm0, $0xb8;
	[tilespmem:$0x10300] =	vst v63  }
0xdd: {  	s14 =	simm.s32 $0xAB00  }
0xde: {  	[tilespmem:s14], [sflag:$0x2] =	stream.indirect_vreg.gather [hbm4b:s6+s4], $0x80, v15, vm0, $0xb8;
	[tilespmem:$0x10300] =	vst v63  }
0xdf: {  	s15 =	simm.s32 $0xB300  }
0xe0: {  	[tilespmem:s15], [sflag:$0x2] =	stream.indirect_vreg.gather [hbm4b:s7+s4], $0x80, v15, vm0, $0xb8;
	[tilespmem:$0x10300] =	vst v63  }
0xe1: {  	s17 =	simm.s32 $0xBB00  }
0xe2: {  	[tilespmem:s17], [sflag:$0x2] =	stream.indirect_vreg.gather [hbm4b:s8+s4], $0x80, v15, vm0, $0xb8;
	[tilespmem:$0x10300] =	vst v63  }
0xe3: {  	v21 =	vld [tilespmem:$0x290];
	_ =	sdelay $0x4  }
0xe4: {  	v22 =	vshll.u32 v21, $0x3  }
0xe5: {  	v21 =	vand.u32 $0x7, v21;
	v22 =	vand.u32 $0xFFFFFFC0, v22  }
0xe6: {  	v21 =	vor.u32 v21, v22  }
0xe7: {  	v22 =	vperm.xlane v21, v8;
	_ =	sdelay $0x1  }
0xe8: {  	v22 =	vadd.s32 v9, v22;
	_ =	sdelay $0x3  }
0xe9: {  	s23 =	simm.s32 $0xC300  }
0xea: {  	[tilespmem:s23], [sflag:$0x2] =	stream.indirect_vreg.gather [hbm4b:s1+s4], $0x80, v22, vm0, $0xb8;
	[tilespmem:$0x10300] =	vst v63  }
0xeb: {  	s30 =	simm.s32 $0xCB00;
	v21 =	vperm.xlane v21, v10  }
0xec: {  	[tilespmem:s30], [sflag:$0x2] =	stream.indirect_vreg.gather [hbm4b:s6+s4], $0x80, v22, vm0, $0xb8;
	[tilespmem:$0x10300] =	vst v63  }
0xed: {  	s31 =	simm.s32 $0xD300;
	v21 =	vadd.s32 v9, v21  }
0xee: {  	[tilespmem:s31], [sflag:$0x2] =	stream.indirect_vreg.gather [hbm4b:s7+s4], $0x80, v22, vm0, $0xb8;
	[tilespmem:$0x10300] =	vst v63  }
0xef: {  	s9 =	simm.s32 $0xDB00  }
0xf0: {  	[tilespmem:s9], [sflag:$0x2] =	stream.indirect_vreg.gather [hbm4b:s8+s4], $0x80, v22, vm0, $0xb8;
	[tilespmem:$0x10300] =	vst v63  }
0xf1: {  	s12 =	simm.s32 $0xE300  }
0xf2: {  	[tilespmem:s12], [sflag:$0x2] =	stream.indirect_vreg.gather [hbm4b:s1+s4], $0x80, v21, vm0, $0xb8;
	[tilespmem:$0x10300] =	vst v63  }
0xf3: {  	s14 =	simm.s32 $0xEB00  }
0xf4: {  	[tilespmem:s14], [sflag:$0x2] =	stream.indirect_vreg.gather [hbm4b:s6+s4], $0x80, v21, vm0, $0xb8;
	[tilespmem:$0x10300] =	vst v63  }
0xf5: {  	s15 =	simm.s32 $0xF300  }
0xf6: {  	[tilespmem:s15], [sflag:$0x2] =	stream.indirect_vreg.gather [hbm4b:s7+s4], $0x80, v21, vm0, $0xb8;
	[tilespmem:$0x10300] =	vst v63  }
0xf7: {  	s17 =	simm.s32 $0xFB00  }
0xf8: {  	[tilespmem:s17], [sflag:$0x2] =	stream.indirect_vreg.gather [hbm4b:s8+s4], $0x80, v21, vm0, $0xb8;
	[tilespmem:$0x10300] =	vst v63  }
0xf9: {  	s23 =	rddreg [dreg:$0x6]  }
0xfa: {  	[tilespmem:s4], [sflag:$0x5] =	stream.linear.gather [hbm4b:s23+s4], $0x200, $0x38;
	[tilespmem:$0x10300] =	vst v63  }
0xfb: {  	_ =	swait.ge [sflag:s13], $0x8000  }
0xfc: {  	[sflag:s13] =	ssyncset.done $0x0  }
0xfd: {  	s30 =	rddreg [dreg:$0x5];
	[sflag:s13] =	ssyncadd.s32 $0xFFFF8000  }
0xfe: {  	[hbm4b:s30+s4] =	stream.linear.scatter [tilespmem:s28], [sflag:$0x3], $0x8000, $0x38;
	[tilespmem:$0x10300] =	vst v63  }
0xff: {  	s31 =	rddreg [dreg:$0x7]  }
0x100: {  	[hbm4b:s31+s4] =	stream.linear.scatter [tilespmem:s28], [sflag:$0x3], $0x8000, $0x38;
	[tilespmem:$0x10300] =	vst v63  }
0x101: {  	s9 =	rddreg [dreg:$0x8]  }
0x102: {  	[hbm4b:s9+s4] =	stream.linear.scatter [tilespmem:s28], [sflag:$0x3], $0x8000, $0x38;
	[tilespmem:$0x10300] =	vst v63  }
0x103: {  	s14 =	simm.s32 $0x2;
	s12 =	rddreg [dreg:$0x9]  }
0x104: {  	[hbm4b:s12+s4] =	stream.linear.scatter [tilespmem:s28], [sflag:$0x3], $0x8000, $0x38;
	[tilespmem:$0x10300] =	vst v63  }
0x105: {  	_ =	swait.ge [sflag:s14], $0x8000  }
0x106: {  	[sflag:s14] =	ssyncset.done $0x0  }
0x107: {  	s15 =	rddreg [dreg:$0xa];
	[sflag:s14] =	ssyncadd.s32 $0xFFFF8000  }
0x108: {  	[hbm4b:s15+s4] =	stream.linear.scatter [tilespmem:s29], [sflag:$0x4], $0x8000, $0x38;
	[tilespmem:$0x10300] =	vst v63  }
0x109: {  	s31 =	simm.s32 $0x0;
	s17 =	rddreg [dreg:$0xb]  }
0x10a: {  	[hbm4b:s17+s4] =	stream.linear.scatter [tilespmem:s29], [sflag:$0x4], $0x8000, $0x38;
	[tilespmem:$0x10300] =	vst v63  }
0x10b: {  	s2 =	sand.u32 $0xFFFFFF80, s31;
	s23 =	rddreg [dreg:$0xc]  }
0x10c: {  	[hbm4b:s23+s4] =	stream.linear.scatter [tilespmem:s29], [sflag:$0x4], $0x8000, $0x38;
	[tilespmem:$0x10300] =	vst v63  }
0x10d: {  	s12 =	ssub.s32 $0x0, s2;
	s30 =	rddreg [dreg:$0xd];
	s14 =	simm.s32 $0x5  }
0x10e: {  	[hbm4b:s30+s4] =	stream.linear.scatter [tilespmem:s29], [sflag:$0x4], $0x8000, $0x38;
	[tilespmem:$0x10300] =	vst v63  }
0x10f: {  	s9 =	sand.u32 $0x3FFFFF80, s31;
	s12 =	sand.u32 $0xFFFFFF80, s12;
	_ =	swait.ge [sflag:s14], $0x200  }
0x110: {  	s9 =	sadd.s32 s12, s9;
	s15 =	sand.u32 $0x70, s4;
	[sflag:s14] =	ssyncset.done $0x0  }
0x111: {  	s9 =	sor.u32 s15, s9;
	[sflag:s14] =	ssyncadd.s32 $0xFFFFFE00  }
0x112: {  	s17 =	simm.s32 $0x10;
	v21 =	vld [tilespmem:s9+$0x0]  }
0x113: {  	s23 =	sand.u32 $0xFFFFFF80, s17  }
0x114: {  	s30 =	ssub.s32 $0x10, s23  }
0x115: {  	s12 =	sand.u32 $0x3FFFFF80, s17;
	s14 =	sand.u32 $0xFFFFFF80, s30;
	s9 =	simm.s32 $0x10  }
0x116: {  	s12 =	sadd.s32 s14, s12;
	s31 =	sand.u32 $0x70, s9  }
0x117: {  	s14 =	sor.u32 s31, s12;
	s12 =	simm.s32 $0x2;
	vm1 =	veq.s32 v21, $0x1;
	v21 =	vimm.s32 $0x0  }
.LBB2_2:
0x118: {  	s15 =	sshll.u32 s12, $0x4;
	p0 =	sne.s32 s12, $0x1F;
	s12 =	sadd.s32 $0x1, s12;
	v22 =	vld [tilespmem:s14+$0x0];
	v23 =	vsel vm1, $0x1, v16  }
.Ltmp2:
0x119: {  	s9 =	sadd.s32 $0x10, s9;
	s14 =	sand.u32 $0xFFFFFF80, s15;
	v21 =	vor.u32 v23, v21;
	(pc) =	sbr.rel @p0 .LBB2_2-.Ltmp2, $4  }
0x11a: {  	s14 =	ssub.s32 s9, s14  }
0x11b: {  	s15 =	sand.u32 $0x3FFFFF80, s15;
	s14 =	sand.u32 $0xFFFFFF80, s14  }
0x11c: {  	s23 =	sand.u32 $0x70, s9;
	s14 =	sadd.s32 s14, s15  }
0x11d: {  	s14 =	sor.u32 s23, s14;
	vm1 =	veq.s32 v22, $0x1  }
0x11e: {  	v22 =	vld [tilespmem:s14+$0x0];
	_ =	sdelay $0x4  }
0x11f: {  	v23 =	vsel vm1, $0x1, v16;
	vm1 =	veq.s32 v22, $0x1  }
0x120: {  	v21 =	vor.u32 v23, v21;
	v22 =	vsel vm1, $0x1, v16  }
0x121: {  	v21 =	vor.u32 v22, v21  }
0x122: {  	(v2sf) =	vpush v21, $0x0  }
0x123: {  	(v2sf) =	vpush v21, $0x1  }
0x124: {  	(v2sf) =	vpush v21, $0x2  }
0x125: {  	(v2sf) =	vpush v21, $0x3  }
0x126: {  	(v2sf) =	vpush v21, $0x4  }
0x127: {  	(v2sf) =	vpush v21, $0x5  }
0x128: {  	(v2sf) =	vpush v21, $0x6  }
0x129: {  	(v2sf) =	vpush v21, $0x7  }
0x12a: {  	(v2sf) =	vpush v21, $0x8  }
0x12b: {  	(v2sf) =	vpush v21, $0x9  }
0x12c: {  	(v2sf) =	vpush v21, $0xA  }
0x12d: {  	(v2sf) =	vpush v21, $0xB  }
0x12e: {  	(v2sf) =	vpush v21, $0xC  }
0x12f: {  	(v2sf) =	vpush v21, $0xD  }
0x130: {  	(v2sf) =	vpush v21, $0xE  }
0x131: {  	s9 =	spop (v2sf);
	(v2sf) =	vpush v21, $0xF  }
0x132: {  	s12 =	spop (v2sf)  }
0x133: {  	s14 =	spop (v2sf)  }
0x134: {  	s15 =	spop (v2sf)  }
0x135: {  	s23 =	spop (v2sf)  }
0x136: {  	s17 =	spop (v2sf)  }
0x137: {  	s31 =	spop (v2sf)  }
0x138: {  	s2 =	spop (v2sf)  }
0x139: {  	s30 =	spop (v2sf)  }
0x13a: {  	[dreg:$0x19] =	wrdreg s2;
	s2 =	spop (v2sf)  }
0x13b: {  	[dreg:$0x18] =	wrdreg s2;
	s2 =	spop (v2sf)  }
0x13c: {  	s9 =	sor.u32 s12, s9;
	s12 =	spop (v2sf)  }
0x13d: {  	s9 =	sor.u32 s14, s9;
	s14 =	spop (v2sf)  }
0x13e: {  	s9 =	sor.u32 s15, s9;
	s15 =	spop (v2sf)  }
0x13f: {  	s9 =	sor.u32 s23, s9;
	s23 =	spop (v2sf)  }
0x140: {  	s9 =	sor.u32 s17, s9;
	s17 =	spop (v2sf)  }
0x141: {  	_ =	swait.ge [sflag:s16], $0x8000  }
0x142: {  	s9 =	sor.u32 s31, s9;
	s31 =	rddreg [dreg:$0x19]  }
0x143: {  	s9 =	sor.u32 s31, s9  }
0x144: {  	s31 =	rddreg [dreg:$0x18];
	s9 =	sor.u32 s30, s9  }
0x145: {  	s9 =	sor.u32 s31, s9  }
0x146: {  	s9 =	sor.u32 s2, s9  }
0x147: {  	[sflag:s16] =	ssyncset.done $0x0;
	s9 =	sor.u32 s12, s9  }
0x148: {  	[sflag:s16] =	ssyncadd.s32 $0xFFFF8000;
	s9 =	sor.u32 s14, s9  }
0x149: {  	_ =	swait.ge [sflag:s16], $0x8000;
	s9 =	sor.u32 s15, s9  }
0x14a: {  	[sflag:s16] =	ssyncset.done $0x0;
	s9 =	sor.u32 s23, s9  }
0x14b: {  	[sflag:s16] =	ssyncadd.s32 $0xFFFF8000;
	s9 =	sor.u32 s17, s9  }
0x14c: {  	_ =	swait.ge [sflag:s16], $0x8000;
	p0 =	sne.s32 s9, $0x0  }
.Ltmp3:
0x14d: {  	[sflag:s16] =	ssyncset.done $0x0;
	(pc) =	sbr.rel @!p0 .LBB2_4-.Ltmp3, $4  }
0x14e: {  	[sflag:s16] =	ssyncadd.s32 $0xFFFF8000  }
0x14f: {  	_ =	swait.ge [sflag:s16], $0x8000  }
0x150: {  	[sflag:s16] =	ssyncset.done $0x0  }
0x151: {  	[sflag:s16] =	ssyncadd.s32 $0xFFFF8000  }
0x152: {  	s0 =	simm.s32 $0x4  }
0x153: {  	_ =	swait.ge [sflag:s0], $0x8000  }
0x154: {  	[sflag:s0] =	ssyncset.done $0x0  }
0x155: {  	[sflag:s0] =	ssyncadd.s32 $0xFFFF8000  }
0x156: {  	_ =	swait.ge [sflag:s0], $0x8000  }
0x157: {  	[sflag:s0] =	ssyncset.done $0x0  }
0x158: {  	[sflag:s0] =	ssyncadd.s32 $0xFFFF8000  }
0x159: {  	_ =	swait.ge [sflag:s0], $0x8000  }
0x15a: {  	[sflag:s0] =	ssyncset.done $0x0  }
0x15b: {  	s9 =	simm.s32 $0x0;
	[sflag:s0] =	ssyncadd.s32 $0xFFFF8000  }
0x15c: {  	s12 =	simm.s32 $0x0;
	s9 =	sand.u32 $0x3, s9;
	_ =	swait.ge [sflag:s0], $0x8000  }
0x15d: {  	s12 =	sand.u32 $0x3FFFFF80, s12;
	s14 =	sshll.u32 s9, $0x5;
	[sflag:s0] =	ssyncset.done $0x0  }
0x15e: {  	s12 =	sor.u32 s14, s12;
	[sflag:s0] =	ssyncadd.s32 $0xFFFF8000  }
0x15f: {  	v21 =	vld [tilespmem:s12+$0x0];
	_ =	sdelay $0x2  }
0x160: {  	s14 =	sor.u32 s14, s5  }
0x161: {  	s15 =	sor.u32 $0x2, s14  }
0x162: {  	v22 =	vadd.s32 s15, v0;
	vm1 =	veq.s32 v21, $0x1  }
0x163: {  	v21 =	vsel vm1, $0x1, v22  }
0x164: {  	v22 =	vshll.u32 v21, $0x3  }
0x165: {  	[tilespmem:$0x200] =	vst v21;
	v21 =	vand.u32 $0x7, v21;
	v22 =	vand.u32 $0xFFFFFFC0, v22  }
0x166: {  	v23 =	vld [tilespmem:s12+$0x10];
	v21 =	vor.u32 v21, v22  }
0x167: {  	v22 =	vperm.xlane v21, v8;
	_ =	sdelay $0x1  }
0x168: {  	v22 =	vadd.s32 v9, v22  }
0x169: {  	s11 =	sor.u32 $0x12, s14  }
0x16a: {  	v24 =	vadd.s32 s11, v0;
	vm1 =	veq.s32 v23, $0x1  }
0x16b: {  	v23 =	vsel vm1, $0x1, v24  }
0x16c: {  	[tilespmem:$0x210] =	vst v23  }
0x16d: {  	[tilespmem:s28], [sflag:$0x1] =	stream.indirect_vreg.gather [hbm4b:s1+s4], $0x80, v22, vm0, $0xb8;
	[tilespmem:$0x10300] =	vst v63  }
0x16e: {  	s30 =	simm.s32 $0xB00;
	v21 =	vperm.xlane v21, v10  }
0x16f: {  	[tilespmem:s30], [sflag:$0x1] =	stream.indirect_vreg.gather [hbm4b:s6+s4], $0x80, v22, vm0, $0xb8;
	[tilespmem:$0x10300] =	vst v63  }
0x170: {  	s31 =	simm.s32 $0x1300;
	v21 =	vadd.s32 v9, v21  }
0x171: {  	[tilespmem:s31], [sflag:$0x1] =	stream.indirect_vreg.gather [hbm4b:s7+s4], $0x80, v22, vm0, $0xb8;
	[tilespmem:$0x10300] =	vst v63  }
0x172: {  	s0 =	simm.s32 $0x1B00  }
0x173: {  	[tilespmem:s0], [sflag:$0x1] =	stream.indirect_vreg.gather [hbm4b:s8+s4], $0x80, v22, vm0, $0xb8;
	[tilespmem:$0x10300] =	vst v63  }
0x174: {  	s3 =	simm.s32 $0x2300  }
0x175: {  	[tilespmem:s3], [sflag:$0x1] =	stream.indirect_vreg.gather [hbm4b:s1+s4], $0x80, v21, vm0, $0xb8;
	[tilespmem:$0x10300] =	vst v63  }
0x176: {  	s18 =	simm.s32 $0x2B00  }
0x177: {  	[tilespmem:s18], [sflag:$0x1] =	stream.indirect_vreg.gather [hbm4b:s6+s4], $0x80, v21, vm0, $0xb8;
	[tilespmem:$0x10300] =	vst v63  }
0x178: {  	s19 =	simm.s32 $0x3300  }
0x179: {  	[tilespmem:s19], [sflag:$0x1] =	stream.indirect_vreg.gather [hbm4b:s7+s4], $0x80, v21, vm0, $0xb8;
	[tilespmem:$0x10300] =	vst v63  }
0x17a: {  	s20 =	simm.s32 $0x3B00  }
0x17b: {  	[tilespmem:s20], [sflag:$0x1] =	stream.indirect_vreg.gather [hbm4b:s8+s4], $0x80, v21, vm0, $0xb8;
	[tilespmem:$0x10300] =	vst v63  }
0x17c: {  	v21 =	vld [tilespmem:$0x210];
	_ =	sdelay $0x4  }
0x17d: {  	v22 =	vshll.u32 v21, $0x3  }
0x17e: {  	v21 =	vand.u32 $0x7, v21;
	v22 =	vand.u32 $0xFFFFFFC0, v22  }
0x17f: {  	v21 =	vor.u32 v21, v22  }
0x180: {  	v22 =	vperm.xlane v21, v8;
	_ =	sdelay $0x1  }
0x181: {  	v22 =	vadd.s32 v9, v22;
	_ =	sdelay $0x3  }
0x182: {  	s21 =	simm.s32 $0x4300  }
0x183: {  	[tilespmem:s21], [sflag:$0x1] =	stream.indirect_vreg.gather [hbm4b:s1+s4], $0x80, v22, vm0, $0xb8;
	[tilespmem:$0x10300] =	vst v63  }
0x184: {  	s22 =	simm.s32 $0x4B00;
	v21 =	vperm.xlane v21, v10  }
0x185: {  	[tilespmem:s22], [sflag:$0x1] =	stream.indirect_vreg.gather [hbm4b:s6+s4], $0x80, v22, vm0, $0xb8;
	[tilespmem:$0x10300] =	vst v63  }
0x186: {  	s24 =	simm.s32 $0x5300;
	v21 =	vadd.s32 v9, v21  }
0x187: {  	[tilespmem:s24], [sflag:$0x1] =	stream.indirect_vreg.gather [hbm4b:s7+s4], $0x80, v22, vm0, $0xb8;
	[tilespmem:$0x10300] =	vst v63  }
0x188: {  	s25 =	simm.s32 $0x5B00  }
0x189: {  	[tilespmem:s25], [sflag:$0x1] =	stream.indirect_vreg.gather [hbm4b:s8+s4], $0x80, v22, vm0, $0xb8;
	[tilespmem:$0x10300] =	vst v63  }
0x18a: {  	s26 =	simm.s32 $0x6300  }
0x18b: {  	[tilespmem:s26], [sflag:$0x1] =	stream.indirect_vreg.gather [hbm4b:s1+s4], $0x80, v21, vm0, $0xb8;
	[tilespmem:$0x10300] =	vst v63  }
0x18c: {  	s10 =	simm.s32 $0x6B00  }
0x18d: {  	[tilespmem:s10], [sflag:$0x1] =	stream.indirect_vreg.gather [hbm4b:s6+s4], $0x80, v21, vm0, $0xb8;
	[tilespmem:$0x10300] =	vst v63  }
0x18e: {  	s11 =	simm.s32 $0x7300  }
0x18f: {  	[tilespmem:s11], [sflag:$0x1] =	stream.indirect_vreg.gather [hbm4b:s7+s4], $0x80, v21, vm0, $0xb8;
	[tilespmem:$0x10300] =	vst v63  }
0x190: {  	s14 =	simm.s32 $0x0;
	s28 =	simm.s32 $0x7B00  }
0x191: {  	[tilespmem:s28], [sflag:$0x1] =	stream.indirect_vreg.gather [hbm4b:s8+s4], $0x80, v21, vm0, $0xb8;
	[tilespmem:$0x10300] =	vst v63  }
0x192: {  	s9 =	sshll.u32 s9, $0xF;
	s12 =	sand.u32 $0xFFC00000, s14;
	_ =	swait.ge [sflag:s13], $0x8000  }
0x193: {  	s9 =	sor.u32 s12, s9;
	s15 =	rddreg [dreg:$0x4];
	[sflag:s13] =	ssyncset.done $0x0  }
0x194: {  	s12 =	sor.u32 s15, s9;
	[sflag:s13] =	ssyncadd.s32 $0xFFFF8000  }
0x195: {  	s29 =	simm.s32 $0x300;
	s12 =	sshrl.u32 s12, $0x3;
	s2 =	rddreg [dreg:$0x2]  }
0x196: {  	s17 =	simm.s32 $0x20;
	s9 =	simm.s32 $0x1;
	s12 =	sadd.s32 s2, s12  }
0x197: {  	[hbm4b:s12+s4] =	stream.linear.scatter [tilespmem:s29], [sflag:$0x3], $0x8000, $0x38;
	[tilespmem:$0x10300] =	vst v63  }
0x198: {  	s14 =	sand.u32 $0x3FFFFF80, s17;
	s12 =	sand.u32 $0x3, s9;
	_ =	swait.ge [sflag:s16], $0x8000  }
0x199: {  	s15 =	simm.s32 $0x2;
	s23 =	sshll.u32 s12, $0x5;
	[sflag:s16] =	ssyncset.done $0x0  }
.LBB2_6:
0x19a: {  	s17 =	sor.u32 s23, s14;
	[sflag:s16] =	ssyncadd.s32 $0xFFFF8000  }
0x19b: {  	v21 =	vld [tilespmem:s17+$0x0];
	_ =	sdelay $0x2  }
0x19c: {  	s23 =	sor.u32 s23, s5  }
0x19d: {  	s2 =	sor.u32 $0x2, s23  }
0x19e: {  	v22 =	vadd.s32 s2, v0;
	vm1 =	veq.s32 v21, $0x1  }
0x19f: {  	v21 =	vsel vm1, $0x1, v22  }
0x1a0: {  	v22 =	vshll.u32 v21, $0x3  }
0x1a1: {  	[tilespmem:$0x200] =	vst v21;
	v21 =	vand.u32 $0x7, v21;
	v22 =	vand.u32 $0xFFFFFFC0, v22  }
0x1a2: {  	v23 =	vld [tilespmem:s17+$0x10];
	v21 =	vor.u32 v21, v22  }
0x1a3: {  	v22 =	vperm.xlane v21, v8;
	_ =	sdelay $0x1  }
0x1a4: {  	v22 =	vadd.s32 v9, v22  }
0x1a5: {  	s23 =	sor.u32 $0x12, s23  }
0x1a6: {  	v24 =	vadd.s32 s23, v0;
	vm1 =	veq.s32 v23, $0x1  }
0x1a7: {  	v23 =	vsel vm1, $0x1, v24  }
0x1a8: {  	[tilespmem:$0x210] =	vst v23  }
0x1a9: {  	[tilespmem:s29], [sflag:$0x1] =	stream.indirect_vreg.gather [hbm4b:s1+s4], $0x80, v22, vm0, $0xb8;
	[tilespmem:$0x10300] =	vst v63  }
0x1aa: {  	v21 =	vperm.xlane v21, v10  }
0x1ab: {  	[tilespmem:s30], [sflag:$0x1] =	stream.indirect_vreg.gather [hbm4b:s6+s4], $0x80, v22, vm0, $0xb8;
	[tilespmem:$0x10300] =	vst v63  }
0x1ac: {  	v21 =	vadd.s32 v9, v21  }
0x1ad: {  	[tilespmem:s31], [sflag:$0x1] =	stream.indirect_vreg.gather [hbm4b:s7+s4], $0x80, v22, vm0, $0xb8;
	[tilespmem:$0x10300] =	vst v63  }
0x1ae: {  	_ = 	snop  }
0x1af: {  	[tilespmem:s0], [sflag:$0x1] =	stream.indirect_vreg.gather [hbm4b:s8+s4], $0x80, v22, vm0, $0xb8;
	[tilespmem:$0x10300] =	vst v63  }
0x1b0: {  	_ = 	snop  }
0x1b1: {  	[tilespmem:s3], [sflag:$0x1] =	stream.indirect_vreg.gather [hbm4b:s1+s4], $0x80, v21, vm0, $0xb8;
	[tilespmem:$0x10300] =	vst v63  }
0x1b2: {  	_ = 	snop  }
0x1b3: {  	[tilespmem:s18], [sflag:$0x1] =	stream.indirect_vreg.gather [hbm4b:s6+s4], $0x80, v21, vm0, $0xb8;
	[tilespmem:$0x10300] =	vst v63  }
0x1b4: {  	_ = 	snop  }
0x1b5: {  	[tilespmem:s19], [sflag:$0x1] =	stream.indirect_vreg.gather [hbm4b:s7+s4], $0x80, v21, vm0, $0xb8;
	[tilespmem:$0x10300] =	vst v63  }
0x1b6: {  	_ = 	snop  }
0x1b7: {  	[tilespmem:s20], [sflag:$0x1] =	stream.indirect_vreg.gather [hbm4b:s8+s4], $0x80, v21, vm0, $0xb8;
	[tilespmem:$0x10300] =	vst v63  }
0x1b8: {  	v21 =	vld [tilespmem:$0x210];
	_ =	sdelay $0x4  }
0x1b9: {  	v22 =	vshll.u32 v21, $0x3  }
0x1ba: {  	v21 =	vand.u32 $0x7, v21;
	v22 =	vand.u32 $0xFFFFFFC0, v22  }
0x1bb: {  	v21 =	vor.u32 v21, v22  }
0x1bc: {  	v22 =	vperm.xlane v21, v8;
	_ =	sdelay $0x1  }
0x1bd: {  	v22 =	vadd.s32 v9, v22;
	_ =	sdelay $0x4  }
0x1be: {  	[tilespmem:s21], [sflag:$0x1] =	stream.indirect_vreg.gather [hbm4b:s1+s4], $0x80, v22, vm0, $0xb8;
	[tilespmem:$0x10300] =	vst v63  }
0x1bf: {  	v21 =	vperm.xlane v21, v10  }
0x1c0: {  	[tilespmem:s22], [sflag:$0x1] =	stream.indirect_vreg.gather [hbm4b:s6+s4], $0x80, v22, vm0, $0xb8;
	[tilespmem:$0x10300] =	vst v63  }
0x1c1: {  	v21 =	vadd.s32 v9, v21  }
0x1c2: {  	[tilespmem:s24], [sflag:$0x1] =	stream.indirect_vreg.gather [hbm4b:s7+s4], $0x80, v22, vm0, $0xb8;
	[tilespmem:$0x10300] =	vst v63  }
0x1c3: {  	_ = 	snop  }
0x1c4: {  	[tilespmem:s25], [sflag:$0x1] =	stream.indirect_vreg.gather [hbm4b:s8+s4], $0x80, v22, vm0, $0xb8;
	[tilespmem:$0x10300] =	vst v63  }
0x1c5: {  	_ = 	snop  }
0x1c6: {  	[tilespmem:s26], [sflag:$0x1] =	stream.indirect_vreg.gather [hbm4b:s1+s4], $0x80, v21, vm0, $0xb8;
	[tilespmem:$0x10300] =	vst v63  }
0x1c7: {  	_ = 	snop  }
0x1c8: {  	[tilespmem:s10], [sflag:$0x1] =	stream.indirect_vreg.gather [hbm4b:s6+s4], $0x80, v21, vm0, $0xb8;
	[tilespmem:$0x10300] =	vst v63  }
0x1c9: {  	_ = 	snop  }
0x1ca: {  	[tilespmem:s11], [sflag:$0x1] =	stream.indirect_vreg.gather [hbm4b:s7+s4], $0x80, v21, vm0, $0xb8;
	[tilespmem:$0x10300] =	vst v63  }
0x1cb: {  	s14 =	sshll.u32 s12, $0xF;
	s17 =	sshll.u32 s9, $0x14  }
0x1cc: {  	[tilespmem:s28], [sflag:$0x1] =	stream.indirect_vreg.gather [hbm4b:s8+s4], $0x80, v21, vm0, $0xb8;
	[tilespmem:$0x10300] =	vst v63  }
0x1cd: {  	p0 =	sne.s32 s15, $0xF;
	s2 =	sand.u32 $0xFFC00000, s17;
	_ =	swait.ge [sflag:s13], $0x8000  }
0x1ce: {  	s12 =	smov.u32 s15;
	s2 =	sor.u32 s2, s14;
	s23 =	rddreg [dreg:$0x4]  }
0x1cf: {  	s15 =	sadd.s32 $0x1, s15;
	s17 =	rddreg [dreg:$0x2];
	s2 =	sor.u32 s23, s2  }
.Ltmp4:
0x1d0: {  	[sflag:s13] =	ssyncset.done $0x0;
	s2 =	sshrl.u32 s2, $0x3;
	(pc) =	sbr.rel @p0 .LBB2_6-.Ltmp4, $4  }
0x1d1: {  	s9 =	smov.u32 s12;
	[sflag:s13] =	ssyncadd.s32 $0xFFFF8000;
	s2 =	sadd.s32 s17, s2  }
0x1d2: {  	[hbm4b:s2+s4] =	stream.linear.scatter [tilespmem:s29], [sflag:$0x3], $0x8000, $0x38;
	[tilespmem:$0x10300] =	vst v63  }
0x1d3: {  	s12 =	sand.u32 $0x3, s9;
	s14 =	sshll.u32 s9, $0x5;
	_ =	swait.ge [sflag:s16], $0x8000  }
0x1d4: {  	s14 =	sand.u32 $0x3FFFFF80, s14;
	s23 =	sshll.u32 s12, $0x5;
	[sflag:s16] =	ssyncset.done $0x0  }
0x1d5: {  	s2 =	sor.u32 s23, s14;
	[sflag:s16] =	ssyncadd.s32 $0xFFFF8000  }
0x1d6: {  	v21 =	vld [tilespmem:s2+$0x0];
	_ =	sdelay $0x2  }
0x1d7: {  	s23 =	sor.u32 s23, s5  }
0x1d8: {  	s15 =	sor.u32 $0x2, s23  }
0x1d9: {  	v22 =	vadd.s32 s15, v0;
	vm1 =	veq.s32 v21, $0x1  }
0x1da: {  	v21 =	vsel vm1, $0x1, v22  }
0x1db: {  	v22 =	vshll.u32 v21, $0x3  }
0x1dc: {  	[tilespmem:$0x200] =	vst v21;
	v21 =	vand.u32 $0x7, v21;
	v22 =	vand.u32 $0xFFFFFFC0, v22  }
0x1dd: {  	v23 =	vld [tilespmem:s2+$0x10];
	v21 =	vor.u32 v21, v22  }
0x1de: {  	v22 =	vperm.xlane v21, v8;
	_ =	sdelay $0x1  }
0x1df: {  	v22 =	vadd.s32 v9, v22  }
0x1e0: {  	s23 =	sor.u32 $0x12, s23  }
0x1e1: {  	v24 =	vadd.s32 s23, v0;
	vm1 =	veq.s32 v23, $0x1  }
0x1e2: {  	v23 =	vsel vm1, $0x1, v24  }
0x1e3: {  	[tilespmem:$0x210] =	vst v23  }
0x1e4: {  	[tilespmem:s29], [sflag:$0x1] =	stream.indirect_vreg.gather [hbm4b:s1+s4], $0x80, v22, vm0, $0xb8;
	[tilespmem:$0x10300] =	vst v63  }
0x1e5: {  	v21 =	vperm.xlane v21, v10  }
0x1e6: {  	[tilespmem:s30], [sflag:$0x1] =	stream.indirect_vreg.gather [hbm4b:s6+s4], $0x80, v22, vm0, $0xb8;
	[tilespmem:$0x10300] =	vst v63  }
0x1e7: {  	v21 =	vadd.s32 v9, v21  }
0x1e8: {  	[tilespmem:s31], [sflag:$0x1] =	stream.indirect_vreg.gather [hbm4b:s7+s4], $0x80, v22, vm0, $0xb8;
	[tilespmem:$0x10300] =	vst v63  }
0x1e9: {  	_ = 	snop  }
0x1ea: {  	[tilespmem:s0], [sflag:$0x1] =	stream.indirect_vreg.gather [hbm4b:s8+s4], $0x80, v22, vm0, $0xb8;
	[tilespmem:$0x10300] =	vst v63  }
0x1eb: {  	_ = 	snop  }
0x1ec: {  	[tilespmem:s3], [sflag:$0x1] =	stream.indirect_vreg.gather [hbm4b:s1+s4], $0x80, v21, vm0, $0xb8;
	[tilespmem:$0x10300] =	vst v63  }
0x1ed: {  	_ = 	snop  }
0x1ee: {  	[tilespmem:s18], [sflag:$0x1] =	stream.indirect_vreg.gather [hbm4b:s6+s4], $0x80, v21, vm0, $0xb8;
	[tilespmem:$0x10300] =	vst v63  }
0x1ef: {  	_ = 	snop  }
0x1f0: {  	[tilespmem:s19], [sflag:$0x1] =	stream.indirect_vreg.gather [hbm4b:s7+s4], $0x80, v21, vm0, $0xb8;
	[tilespmem:$0x10300] =	vst v63  }
0x1f1: {  	_ = 	snop  }
0x1f2: {  	[tilespmem:s20], [sflag:$0x1] =	stream.indirect_vreg.gather [hbm4b:s8+s4], $0x80, v21, vm0, $0xb8;
	[tilespmem:$0x10300] =	vst v63  }
0x1f3: {  	v21 =	vld [tilespmem:$0x210];
	_ =	sdelay $0x4  }
0x1f4: {  	v22 =	vshll.u32 v21, $0x3  }
0x1f5: {  	v21 =	vand.u32 $0x7, v21;
	v22 =	vand.u32 $0xFFFFFFC0, v22  }
0x1f6: {  	v21 =	vor.u32 v21, v22  }
0x1f7: {  	v22 =	vperm.xlane v21, v8;
	_ =	sdelay $0x1  }
0x1f8: {  	v22 =	vadd.s32 v9, v22;
	_ =	sdelay $0x4  }
0x1f9: {  	[tilespmem:s21], [sflag:$0x1] =	stream.indirect_vreg.gather [hbm4b:s1+s4], $0x80, v22, vm0, $0xb8;
	[tilespmem:$0x10300] =	vst v63  }
0x1fa: {  	v21 =	vperm.xlane v21, v10  }
0x1fb: {  	[tilespmem:s22], [sflag:$0x1] =	stream.indirect_vreg.gather [hbm4b:s6+s4], $0x80, v22, vm0, $0xb8;
	[tilespmem:$0x10300] =	vst v63  }
0x1fc: {  	v21 =	vadd.s32 v9, v21  }
0x1fd: {  	[tilespmem:s24], [sflag:$0x1] =	stream.indirect_vreg.gather [hbm4b:s7+s4], $0x80, v22, vm0, $0xb8;
	[tilespmem:$0x10300] =	vst v63  }
0x1fe: {  	_ = 	snop  }
0x1ff: {  	[tilespmem:s25], [sflag:$0x1] =	stream.indirect_vreg.gather [hbm4b:s8+s4], $0x80, v22, vm0, $0xb8;
	[tilespmem:$0x10300] =	vst v63  }
0x200: {  	_ = 	snop  }
0x201: {  	[tilespmem:s26], [sflag:$0x1] =	stream.indirect_vreg.gather [hbm4b:s1+s4], $0x80, v21, vm0, $0xb8;
	[tilespmem:$0x10300] =	vst v63  }
0x202: {  	s12 =	sshll.u32 s12, $0xF;
	s14 =	simm.s32 $0x1300;
	s30 =	sshll.u32 s9, $0x14  }
0x203: {  	[tilespmem:s10], [sflag:$0x1] =	stream.indirect_vreg.gather [hbm4b:s6+s4], $0x80, v21, vm0, $0xb8;
	[tilespmem:$0x10300] =	vst v63  }
0x204: {  	s15 =	simm.s32 $0x1B00;
	s9 =	simm.s32 $0xB00;
	s2 =	sand.u32 $0xFFC00000, s30  }
0x205: {  	[tilespmem:s11], [sflag:$0x1] =	stream.indirect_vreg.gather [hbm4b:s7+s4], $0x80, v21, vm0, $0xb8;
	[tilespmem:$0x10300] =	vst v63  }
0x206: {  	s2 =	sor.u32 s2, s12;
	s0 =	simm.s32 $0x2300;
	s3 =	simm.s32 $0x2B00  }
0x207: {  	[tilespmem:s28], [sflag:$0x1] =	stream.indirect_vreg.gather [hbm4b:s8+s4], $0x80, v21, vm0, $0xb8;
	[tilespmem:$0x10300] =	vst v63  }
0x208: {  	s18 =	simm.s32 $0x3300;
	s19 =	simm.s32 $0x3B00;
	_ =	swait.ge [sflag:s13], $0x8000  }
0x209: {  	s20 =	simm.s32 $0x4300;
	s21 =	simm.s32 $0x4B00;
	s31 =	rddreg [dreg:$0x4]  }
0x20a: {  	s22 =	simm.s32 $0x5300;
	s24 =	simm.s32 $0x5B00;
	s2 =	sor.u32 s31, s2  }
0x20b: {  	s25 =	simm.s32 $0x6300;
	[sflag:s13] =	ssyncset.done $0x0;
	s2 =	sshrl.u32 s2, $0x3  }
.Ltmp5:
0x20c: {  	[sflag:s13] =	ssyncadd.s32 $0xFFFF8000;
	s2 =	sadd.s32 s17, s2;
	(pc) =	sbr.rel .LBB2_8-.Ltmp5, $4  }
0x20d: {  	[hbm4b:s2+s4] =	stream.linear.scatter [tilespmem:s29], [sflag:$0x3], $0x8000, $0x38;
	[tilespmem:$0x10300] =	vst v63  }
0x20e: {  	s26 =	simm.s32 $0x6B00;
	s10 =	simm.s32 $0x7300;
	_ =	swait.ge [sflag:s16], $0x8000  }
0x20f: {  	s11 =	simm.s32 $0x7B00;
	s28 =	simm.s32 $0x300;
	[sflag:s16] =	ssyncset.done $0x0  }
0x210: {  	s29 =	simm.s32 $0x8300;
	s12 =	rddreg [dreg:$0x17];
	[sflag:s16] =	ssyncadd.s32 $0xFFFF8000  }
.LBB2_9:
0x211: {  	_ =	sfence.sel $0x180000  }
0x212: {  	[bflag:$0x0] =	sbarrier.arrive $0xFFFF  }
0x213: {  	_ =	strace $0x90000047  }
0x214: {  	s0 =	stileid.u32;
	[bflag:$0x2] =	sbarrier.arrive $0xFFFF  }
0x215: {  	p0 =	sne.s32 s0, $0x0;
	s0 =	rddreg [dreg:$0x3]  }
0x216: {  	s0 =	sadd.s32 @!p0 $0x100000, s0  }
0x217: {  	[sflag:s0] =	ssyncadd.tile.s32 @!p0 $0x1;
	_ =	shalt  }
.Lfunc_end2:
_tile_overlayer_lowered:
.L_overlay_start_2:
0x218: {  	(tag) =	ssettag $0x2  }
0x219: {  	s0 =	rddreg [dreg:$0x0];
	s2 =	stileid.u32  }
0x21a: {  	s1 =	rddreg [dreg:$0x1];
	p0 =	sne.s32 s2, $0x0  }
0x21b: {  	s3 =	rddreg [dreg:$0x2];
	[bflag:$0x3] =	sbarrier.arrive $0xFFFF;
	s2 =	simm.s32 @!p0 $0x1C06  }
0x21c: {  	[timem:s3], [sflag:s2] =	dma.local @!p0 [hbm:s0], s1  }
0x21d: {  	s0 =	simm.s32 @!p0 $0x6  }
0x21e: {  	_ =	swait.ge @!p0 [sflag:s0], s1  }
0x21f: {  	s1 =	ssub.s32 @!p0 $0x0, s1;
	[sflag:s0] =	ssyncset.done @!p0 $0x0  }
0x220: {  	[sflag:s0] =	ssyncadd.s32 @!p0 s1  }
0x221: {  	[bflag:$0x3] =	sbarrier.arrive $0xFFFF  }
0x222: {  	_ =	shalt  }

</sc_bundles>
